<compile_context>
chip_gen: v7x
topology: tpu7x:2x2x1
jax: 0.10.2.dev20260603
libtpu: 0.0.44.dev20260713+nightly
codegen_flags: <defaults>
</compile_context>

<pallas_src>
import dataclasses
import functools

import jax
import jax.numpy as jnp
from jax import lax
from jax.experimental import pallas as pl
from jax.experimental.pallas import tpu as pltpu
from jax.experimental.pallas import tpu_sc as plsc

N, D, FF, E = 2048, 768, 1024, 64
T = 64
NC = N // T + E
P = NC * T
NW = 32


def _ffn_body(ce_ref, act_ref, x_ref, wup_ref, bup_ref, wdn_ref, bdn_ref,
              out_ref):
    @pl.when(act_ref[pl.program_id(0)] != 0)
    def _():
        xb = x_ref[...]
        h = lax.dot_general(xb, wup_ref[0],
                            (((1,), (1,)), ((), ())),
                            preferred_element_type=jnp.float32)
        h = h + bup_ref[0]
        h = h * jax.nn.sigmoid(h)
        y = lax.dot_general(h, wdn_ref[0],
                            (((1,), (1,)), ((), ())),
                            preferred_element_type=jnp.float32)
        out_ref[...] = y + bdn_ref[0]


_SC_CP = pltpu.CompilerParams()
if "needs_layout_passes" in pltpu.CompilerParams.__dataclass_fields__:
    _SC_CP = dataclasses.replace(_SC_CP, needs_layout_passes=False)

L = 16


def _sc_plan(assign):
    mesh = plsc.VectorSubcoreMesh(core_axis_name="c", subcore_axis_name="s")
    outs = (jax.ShapeDtypeStruct((N,), jnp.int32),
            jax.ShapeDtypeStruct((NC,), jnp.int32),
            jax.ShapeDtypeStruct((NC,), jnp.int32))

    @functools.partial(
        pl.kernel, mesh=mesh, out_type=outs, compiler_params=_SC_CP,
        scratch_types=[
            pltpu.VMEM((N,), jnp.int32),
            pltpu.VMEM((N,), jnp.int32),
            pltpu.VMEM((E,), jnp.int32),
            pltpu.VMEM((E,), jnp.int32),
            pltpu.VMEM((E,), jnp.int32),
            pltpu.VMEM((NC,), jnp.int32),
            pltpu.VMEM((NC,), jnp.int32),
            pltpu.SemaphoreType.DMA,
        ],
    )
    def k(assign_hbm, pos_hbm, ce_hbm, act_hbm,
          a_v, pos_v, cnt_v, ps_v, cum_v, ce_v, act_v, sem):
        wid = lax.axis_index("s") * 2 + lax.axis_index("c")

        @pl.when(wid == 0)
        def _():
            pltpu.async_copy(assign_hbm, a_v, sem).wait()
            zeros = jnp.zeros((L,), jnp.int32)

            @pl.loop(0, E, step=L)
            def _(e):
                cnt_v[pl.ds(e, L)] = zeros

            @pl.loop(0, N, step=L)
            def _(i):
                v = a_v[pl.ds(i, L)]
                g = plsc.load_gather(cnt_v, [v])
                occ, is_last = plsc.scan_count(v)
                pos_v[pl.ds(i, L)] = g + occ - 1
                plsc.store_scatter(cnt_v, [v], g + occ, mask=is_last)

            carry = jnp.int32(0)
            for eb in range(0, E, L):
                cnt = cnt_v[pl.ds(eb, L)]
                cc = (cnt + (T - 1)) // T
                cum = jnp.cumsum(cc) + carry
                carry = cum[L - 1]
                cum_v[pl.ds(eb, L)] = cum
                ps_v[pl.ds(eb, L)] = (cum - cc) * T
            total = carry

            for cb in range(0, NC, L):
                ce_v[pl.ds(cb, L)] = zeros
            for eb in range(0, E, L):
                cnt = cnt_v[pl.ds(eb, L)]
                cc = (cnt + (T - 1)) // T
                cum = cum_v[pl.ds(eb, L)]
                e_ids = eb + lax.iota(jnp.int32, L)
                plsc.store_scatter(ce_v, [cum - cc], e_ids, mask=cc > 0)
            carry = jnp.int32(0)
            for cb in range(0, NC, L):
                cid = cb + lax.iota(jnp.int32, L)
                ce = jnp.maximum(plsc.cummax(ce_v[pl.ds(cb, L)]), carry)
                carry = ce[L - 1]
                ce_v[pl.ds(cb, L)] = ce
                act_v[pl.ds(cb, L)] = (cid < total).astype(jnp.int32)

            @pl.loop(0, N, step=L)
            def _(i):
                v = a_v[pl.ds(i, L)]
                pos_v[pl.ds(i, L)] = (pos_v[pl.ds(i, L)]
                                      + plsc.load_gather(ps_v, [v]))

            pltpu.async_copy(pos_v, pos_hbm, sem).wait()
            pltpu.async_copy(ce_v, ce_hbm, sem).wait()
            pltpu.async_copy(act_v, act_hbm, sem).wait()

    return k(assign)


def _sc_scatter(rows, idx, nrows_out):
    nrows_in = rows.shape[0]
    b_per_w = nrows_in // NW
    mesh = plsc.VectorSubcoreMesh(core_axis_name="c", subcore_axis_name="s")

    @functools.partial(
        pl.kernel, mesh=mesh,
        out_type=jax.ShapeDtypeStruct((nrows_out, D), jnp.float32),
        scratch_types=[
            pltpu.VMEM((b_per_w,), jnp.int32),
            pltpu.VMEM((b_per_w, D), jnp.float32),
            pltpu.SemaphoreType.DMA,
        ],
    )
    def k(rows_hbm, idx_hbm, out_hbm, idx_v, rows_v, sem):
        wid = lax.axis_index("s") * 2 + lax.axis_index("c")
        base = wid * b_per_w
        pltpu.sync_copy(idx_hbm.at[pl.ds(base, b_per_w)], idx_v)
        pltpu.sync_copy(rows_hbm.at[pl.ds(base, b_per_w)], rows_v)
        pltpu.async_copy(rows_v, out_hbm.at[idx_v], sem).wait()

    return k(rows, idx)


def _sc_gather(table, idx, nrows):
    b_per_w = nrows // NW
    mesh = plsc.VectorSubcoreMesh(core_axis_name="c", subcore_axis_name="s")

    @functools.partial(
        pl.kernel, mesh=mesh,
        out_type=jax.ShapeDtypeStruct((nrows, D), jnp.float32),
        scratch_types=[
            pltpu.VMEM((b_per_w,), jnp.int32),
            pltpu.VMEM((b_per_w, D), jnp.float32),
            pltpu.SemaphoreType.DMA,
        ],
    )
    def k(table_hbm, idx_hbm, out_hbm, idx_v, rows_v, sem):
        wid = lax.axis_index("s") * 2 + lax.axis_index("c")
        base = wid * b_per_w
        pltpu.sync_copy(idx_hbm.at[pl.ds(base, b_per_w)], idx_v)
        pltpu.async_copy(table_hbm.at[idx_v], rows_v, sem).wait()
        pltpu.sync_copy(rows_v, out_hbm.at[pl.ds(base, b_per_w)])

    return k(table, idx)


def _ffn_call(chunk_expert, active, x_padded, w_up, b_up, w_down, b_down):
    b_up3 = b_up.reshape(E, 1, FF)
    b_down3 = b_down.reshape(E, 1, D)
    grid_spec = pltpu.PrefetchScalarGridSpec(
        num_scalar_prefetch=2,
        grid=(NC,),
        in_specs=[
            pl.BlockSpec((T, D), lambda c, ce, act: (c, 0)),
            pl.BlockSpec((1, FF, D), lambda c, ce, act: (ce[c], 0, 0)),
            pl.BlockSpec((1, 1, FF), lambda c, ce, act: (ce[c], 0, 0)),
            pl.BlockSpec((1, D, FF), lambda c, ce, act: (ce[c], 0, 0)),
            pl.BlockSpec((1, 1, D), lambda c, ce, act: (ce[c], 0, 0)),
        ],
        out_specs=pl.BlockSpec((T, D), lambda c, ce, act: (c, 0)),
    )
    return pl.pallas_call(
        _ffn_body,
        grid_spec=grid_spec,
        out_shape=jax.ShapeDtypeStruct((P, D), jnp.float32),
    )(chunk_expert, active, x_padded, w_up, b_up3, w_down, b_down3)


def kernel(x, W_router, w_up, b_up, w_down, b_down):
    logits = x @ W_router
    _, top_idx = lax.top_k(logits, 1)
    assign = top_idx[:, 0].astype(jnp.int32)

    pos_token, chunk_expert, active = _sc_plan(assign)

    x_padded = _sc_scatter(x, pos_token, P)

    y_padded = _ffn_call(chunk_expert, active, x_padded, w_up, b_up, w_down, b_down)

    return _sc_gather(y_padded, pos_token, N)

# --- scband reference (transcript-rebuilt; emitter-appended) ---
"""Pipeline reference for scband-optimized-mo-eblock-57561151701418 (READ-ONLY COPY).

The authoritative reference and input builder live on the scoring server;
editing this copy changes nothing except your own understanding.
"""

import jax, jax.numpy as jnp
import numpy as np

N = 2048
D = 768
FF = 1024
E = 64
K = 1

def setup_inputs(seed: int = 0) -> dict:
    key = jax.random.key(seed)
    ks = jax.random.split(key, 6)
    x = jax.random.normal(ks[0], (N, D), dtype=jnp.float32)
    W_router = jax.random.normal(ks[1], (D, E), dtype=jnp.float32) * 0.02
    w_up = jax.random.normal(ks[2], (E, FF, D), dtype=jnp.float32) * 0.02
    b_up = jnp.zeros((E, FF), dtype=jnp.float32)
    w_down = jax.random.normal(ks[3], (E, D, FF), dtype=jnp.float32) * 0.02
    b_down = jnp.zeros((E, D), dtype=jnp.float32)
    return {"x": x, "W_router": W_router, "w_up": w_up, "b_up": b_up, "w_down": w_down, "b_down": b_down}

def reference(x, W_router, w_up, b_up, w_down, b_down):
    # Router: linear logits -> top-k expert selection -> softmax routing weights
    logits = x @ W_router                      # [N, E]
    top_vals, top_idx = jax.lax.top_k(logits, K)  # [N, K]
    routing_weights = jax.nn.softmax(top_vals, axis=-1)  # [N, K]
    # Scatter routing weights into dense combine matrix [N, E]
    combine = jnp.zeros((x.shape[0], E), dtype=x.dtype)
    combine = combine.at[jnp.arange(x.shape[0])[:, None], top_idx].add(routing_weights)
    # Per-expert FFN (SiLU up-proj, down-proj), weighted combine.
    # Mathematically identical to the per-token PyTorch fallback: tokens not
    # routed to expert e have combine[:, e] == 0 and contribute nothing.
    out = jnp.zeros_like(x)
    for e in range(E):
        h = jax.nn.silu(x @ w_up[e].T + b_up[e])      # [N, FF]
        y = h @ w_down[e].T + b_down[e]               # [N, D]
        out = out + combine[:, e:e + 1] * y
    return out

if __name__ == "__main__":
    import jax
    _d = setup_inputs()
    print(jax.jit(kernel)(*tuple(_d.values())))

</pallas_src>

<mosaic_0001>
#map = affine_map<(d0, d1) -> (0, 0)>
#map1 = affine_map<(d0, d1) -> (0)>
module attributes {stable_mosaic.version = 14 : i64} {
  func.func @k(%arg0: i32, %arg1: i32, %arg2: memref<2048x768xf32, #tpu.memory_space<hbm>>, %arg3: memref<2048xi32, #tpu.memory_space<hbm>>, %arg4: memref<6144x768xf32, #tpu.memory_space<hbm>>, %arg5: memref<64xi32, #tpu.memory_space<vmem>>, %arg6: memref<64x768xf32, #tpu.memory_space<vmem>>, %arg7: memref<!tpu.dma_semaphore, #tpu.memory_space<semaphore_mem>>) attributes {dimension_semantics = [#tpu.dimension_semantics<core_parallel>, #tpu.dimension_semantics<subcore_parallel>], iteration_bounds = array<i64: 2, 16>, scalar_prefetch = 0 : i64, scratch_operands = 3 : i64, tpu.core_type = #tpu.core_type<sc_vector_subcore>, window_params = [{transform_indices = #map}, {transform_indices = #map1}, {transform_indices = #map}]} {
    %mul3A = arith.constant 2 : i32
    %mul3A_0 = arith.muli %arg1, %mul3A : i32
    %add3A = arith.addi %mul3A_0, %arg0 : i32
    %mul3A_1 = arith.constant 64 : i32
    %mul3A_2 = arith.muli %add3A, %mul3A_1 : i32
    "tpu.region"() ({
      %run_scoped3A = tpu.sem_alloc : memref<!tpu.dma_semaphore, #tpu.memory_space<semaphore_mem>>
      %dma_start3A_7 = tpu.memref_slice %arg3[%mul3A_2] : memref<2048xi32, #tpu.memory_space<hbm>> -> memref<64xi32, #tpu.memory_space<hbm>>
      %dma_start3A_8 = tpu.memref_slice %arg3[%mul3A_2] : memref<2048xi32, #tpu.memory_space<hbm>> -> memref<64xi32, #tpu.memory_space<hbm>>
      tpu.enqueue_dma source(%dma_start3A_8 : memref<64xi32, #tpu.memory_space<hbm>>) target(%arg5 : memref<64xi32, #tpu.memory_space<vmem>>) target_semaphore(%run_scoped3A : memref<!tpu.dma_semaphore, #tpu.memory_space<semaphore_mem>>)
      %dma_wait3A_9 = tpu.memref_slice %arg3[%mul3A_2] : memref<2048xi32, #tpu.memory_space<hbm>> -> memref<64xi32, #tpu.memory_space<hbm>>
      %dma_wait3A_10 = tpu.memref_slice %arg3[%mul3A_2] : memref<2048xi32, #tpu.memory_space<hbm>> -> memref<64xi32, #tpu.memory_space<hbm>>
      tpu.wait_dma2 semaphore(%run_scoped3A : memref<!tpu.dma_semaphore, #tpu.memory_space<semaphore_mem>>) src(%dma_wait3A_10 : memref<64xi32, #tpu.memory_space<hbm>>) dst(%arg5 : memref<64xi32, #tpu.memory_space<vmem>>)
      tpu.yield
    }) : () -> ()
    "tpu.region"() ({
      %run_scoped3A = tpu.sem_alloc : memref<!tpu.dma_semaphore, #tpu.memory_space<semaphore_mem>>
      %dma_start3A_7 = arith.constant 0 : i32
      %dma_start3A_8 = tpu.memref_slice %arg2[%mul3A_2, %dma_start3A_7] : memref<2048x768xf32, #tpu.memory_space<hbm>> -> memref<64x768xf32, #tpu.memory_space<hbm>>
      %dma_start3A_9 = arith.constant 0 : i32
      %dma_start3A_10 = tpu.memref_slice %arg2[%mul3A_2, %dma_start3A_9] : memref<2048x768xf32, #tpu.memory_space<hbm>> -> memref<64x768xf32, #tpu.memory_space<hbm>>
      tpu.enqueue_dma source(%dma_start3A_10 : memref<64x768xf32, #tpu.memory_space<hbm>>) target(%arg6 : memref<64x768xf32, #tpu.memory_space<vmem>>) target_semaphore(%run_scoped3A : memref<!tpu.dma_semaphore, #tpu.memory_space<semaphore_mem>>)
      %dma_wait3A_11 = arith.constant 0 : i32
      %dma_wait3A_12 = tpu.memref_slice %arg2[%mul3A_2, %dma_wait3A_11] : memref<2048x768xf32, #tpu.memory_space<hbm>> -> memref<64x768xf32, #tpu.memory_space<hbm>>
      %dma_wait3A_13 = arith.constant 0 : i32
      %dma_wait3A_14 = tpu.memref_slice %arg2[%mul3A_2, %dma_wait3A_13] : memref<2048x768xf32, #tpu.memory_space<hbm>> -> memref<64x768xf32, #tpu.memory_space<hbm>>
      tpu.wait_dma2 semaphore(%run_scoped3A : memref<!tpu.dma_semaphore, #tpu.memory_space<semaphore_mem>>) src(%dma_wait3A_14 : memref<64x768xf32, #tpu.memory_space<hbm>>) dst(%arg6 : memref<64x768xf32, #tpu.memory_space<vmem>>)
      tpu.yield
    }) : () -> ()
    %dma_start3A = arith.constant 0 : i32
    %dma_start3A_3 = arith.constant 0 : i32
    %dma_start3A_4 = tpu.memref_slice %arg4[%dma_start3A, %dma_start3A_3] : memref<6144x768xf32, #tpu.memory_space<hbm>> -> memref<6144x768xf32, #tpu.memory_space<hbm>>
    tpu.enqueue_indirect_dma source(%arg6 : memref<64x768xf32, #tpu.memory_space<vmem>>) target(%dma_start3A_4 : memref<6144x768xf32, #tpu.memory_space<hbm>>) offsets(%arg5 : memref<64xi32, #tpu.memory_space<vmem>>) semaphore(%arg7 : memref<!tpu.dma_semaphore, #tpu.memory_space<semaphore_mem>>)
    %dma_wait3A = arith.constant 0 : i32
    %dma_wait3A_5 = arith.constant 0 : i32
    %dma_wait3A_6 = tpu.memref_slice %arg4[%dma_wait3A, %dma_wait3A_5] : memref<6144x768xf32, #tpu.memory_space<hbm>> -> memref<6144x768xf32, #tpu.memory_space<hbm>>
    tpu.wait_indirect_dma semaphore(%arg7 : memref<!tpu.dma_semaphore, #tpu.memory_space<semaphore_mem>>) src(%arg6 : memref<64x768xf32, #tpu.memory_space<vmem>>) dst(%dma_wait3A_6 : memref<6144x768xf32, #tpu.memory_space<hbm>>)
    return
  }
}

#map = affine_map<(d0, d1) -> (0)>
module attributes {stable_mosaic.version = 14 : i64} {
  func.func @k(%arg0: i32, %arg1: i32, %arg2: memref<2048xi32, #tpu.memory_space<hbm>>, %arg3: memref<2048xi32, #tpu.memory_space<hbm>>, %arg4: memref<96xi32, #tpu.memory_space<hbm>>, %arg5: memref<96xi32, #tpu.memory_space<hbm>>, %arg6: memref<2048xi32, #tpu.memory_space<vmem>>, %arg7: memref<2048xi32, #tpu.memory_space<vmem>>, %arg8: memref<64xi32, #tpu.memory_space<vmem>>, %arg9: memref<64xi32, #tpu.memory_space<vmem>>, %arg10: memref<64xi32, #tpu.memory_space<vmem>>, %arg11: memref<96xi32, #tpu.memory_space<vmem>>, %arg12: memref<96xi32, #tpu.memory_space<vmem>>, %arg13: memref<!tpu.dma_semaphore, #tpu.memory_space<semaphore_mem>>) attributes {dimension_semantics = [#tpu.dimension_semantics<core_parallel>, #tpu.dimension_semantics<subcore_parallel>], iteration_bounds = array<i64: 2, 16>, scalar_prefetch = 0 : i64, scratch_operands = 8 : i64, tpu.core_type = #tpu.core_type<sc_vector_subcore>, window_params = [{transform_indices = #map}, {transform_indices = #map}, {transform_indices = #map}, {transform_indices = #map}]} {
    %mul3A = arith.constant 2 : i32
    %mul3A_0 = arith.muli %arg1, %mul3A : i32
    %add3A = arith.addi %mul3A_0, %arg0 : i32
    %eq3A = arith.constant 0 : i32
    %eq3A_1 = arith.cmpi eq, %add3A, %eq3A : i32
    %convert_element_type3A = arith.extui %eq3A_1 : i1 to i32
    %cond3A = arith.constant 0 : i32
    %cond3A_2 = arith.cmpi ne, %convert_element_type3A, %cond3A : i32
    scf.if %cond3A_2 {
      tpu.enqueue_dma source(%arg2 : memref<2048xi32, #tpu.memory_space<hbm>>) target(%arg6 : memref<2048xi32, #tpu.memory_space<vmem>>) target_semaphore(%arg13 : memref<!tpu.dma_semaphore, #tpu.memory_space<semaphore_mem>>)
      tpu.wait_dma2 semaphore(%arg13 : memref<!tpu.dma_semaphore, #tpu.memory_space<semaphore_mem>>) src(%arg2 : memref<2048xi32, #tpu.memory_space<hbm>>) dst(%arg6 : memref<2048xi32, #tpu.memory_space<vmem>>)
      %broadcast_in_dim3A = arith.constant 0 : i32
      %broadcast_in_dim3A_3 = vector.broadcast %broadcast_in_dim3A : i32 to vector<16xi32>
      %scan3A = arith.constant 0 : i32
      %scan3A_4 = arith.constant 4 : i32
      %scan3A_5 = arith.addi %scan3A, %scan3A_4 : i32
      %scan3A_6 = arith.constant 1 : i32
      scf.for %scan3A_546 = %scan3A to %scan3A_5 step %scan3A_6  : i32 {
        %mul3A_547 = arith.constant 16 : i32
        %mul3A_548 = arith.muli %scan3A_546, %mul3A_547 : i32
        %add3A_549 = arith.constant 0 : i32
        %add3A_550 = arith.addi %add3A_549, %mul3A_548 : i32
        %swap3A_551 = arith.index_cast %add3A_550 : i32 to index
        %swap3A_552 = tpu.vector_load %arg8[%swap3A_551] {strides = array<i32>} : memref<64xi32, #tpu.memory_space<vmem>>, vector<16xi32>,
        tpu.vector_store %arg8[%swap3A_551], %broadcast_in_dim3A_3 {strides = array<i32>} : memref<64xi32, #tpu.memory_space<vmem>>, vector<16xi32>,
      }
      %scan3A_7 = arith.constant 4 : i32
      %scan3A_8 = arith.constant 0 : i32
      %scan3A_9 = arith.constant 128 : i32
      %scan3A_10 = arith.addi %scan3A_8, %scan3A_9 : i32
      %scan3A_11 = arith.constant 1 : i32
      scf.for %scan3A_546 = %scan3A_8 to %scan3A_10 step %scan3A_11  : i32 {
        %mul3A_547 = arith.constant 16 : i32
        %mul3A_548 = arith.muli %scan3A_546, %mul3A_547 : i32
        %add3A_549 = arith.constant 0 : i32
        %add3A_550 = arith.addi %add3A_549, %mul3A_548 : i32
        %get3A_551 = arith.index_cast %add3A_550 : i32 to index
        %get3A_552 = tpu.vector_load %arg6[%get3A_551] {strides = array<i32>} : memref<2048xi32, #tpu.memory_space<vmem>>, vector<16xi32>,
        %gather3A = tpu.vector_load_idx %arg8[%get3A_552] : memref<64xi32, #tpu.memory_space<vmem>>[vector<16xi32>], vector<16xi32>,
        %broadcast_in_dim3A_553 = arith.constant true
        %broadcast_in_dim3A_554 = vector.broadcast %broadcast_in_dim3A_553 : i1 to vector<16xi1>
        %unique3A, %unique3A_555 = tpu.scan_count mask(%broadcast_in_dim3A_554 : vector<16xi1>) value(%get3A_552 : vector<16xi32>) : vector<16xi1>, vector<16xi32>
        %add3A_556 = arith.addi %gather3A, %unique3A_555 : vector<16xi32>
        %sub3A_557 = arith.constant 1 : i32
        %sub3A_558 = vector.broadcast %sub3A_557 : i32 to vector<16xi32>
        %sub3A_559 = arith.subi %add3A_556, %sub3A_558 : vector<16xi32>
        %swap3A_560 = arith.index_cast %add3A_550 : i32 to index
        %swap3A_561 = tpu.vector_load %arg7[%swap3A_560] {strides = array<i32>} : memref<2048xi32, #tpu.memory_space<vmem>>, vector<16xi32>,
        tpu.vector_store %arg7[%swap3A_560], %sub3A_559 {strides = array<i32>} : memref<2048xi32, #tpu.memory_space<vmem>>, vector<16xi32>,
        %add3A_562 = arith.addi %gather3A, %unique3A_555 : vector<16xi32>
        tpu.vector_store_idx %arg8[%get3A_552], %add3A_562 masked %unique3A : memref<64xi32, #tpu.memory_space<vmem>>[vector<16xi32>], vector<16xi32>, vector<16xi1>
      }
      %scan3A_12 = arith.constant 128 : i32
      %get3A = arith.constant 0 : index
      %get3A_13 = tpu.vector_load %arg8[%get3A] {strides = array<i32>} : memref<64xi32, #tpu.memory_space<vmem>>, vector<16xi32>,
      %add3A_14 = arith.constant 63 : i32
      %add3A_15 = vector.broadcast %add3A_14 : i32 to vector<16xi32>
      %add3A_16 = arith.addi %get3A_13, %add3A_15 : vector<16xi32>
      %jit3A = arith.constant 64 : i32
      %div3A = vector.broadcast %jit3A : i32 to vector<16xi32>
      %div3A_17 = arith.divsi %add3A_16, %div3A : vector<16xi32>
      %sign3A = arith.constant 0 : i32
      %sign3A_18 = vector.broadcast %sign3A : i32 to vector<16xi32>
      %sign3A_19 = arith.cmpi sgt, %add3A_16, %sign3A_18 : vector<16xi32>
      %sign3A_20 = arith.extui %sign3A_19 : vector<16xi1> to vector<16xi32>
      %sign3A_21 = arith.constant 0 : i32
      %sign3A_22 = vector.broadcast %sign3A_21 : i32 to vector<16xi32>
      %sign3A_23 = arith.cmpi slt, %add3A_16, %sign3A_22 : vector<16xi32>
      %sign3A_24 = arith.extui %sign3A_23 : vector<16xi1> to vector<16xi32>
      %sign3A_25 = arith.subi %sign3A_20, %sign3A_24 : vector<16xi32>
      %sign3A_26 = arith.constant 0 : i32
      %sign3A_27 = arith.cmpi sgt, %jit3A, %sign3A_26 : i32
      %sign3A_28 = arith.extui %sign3A_27 : i1 to i32
      %sign3A_29 = arith.constant 0 : i32
      %sign3A_30 = arith.cmpi slt, %jit3A, %sign3A_29 : i32
      %sign3A_31 = arith.extui %sign3A_30 : i1 to i32
      %sign3A_32 = arith.subi %sign3A_28, %sign3A_31 : i32
      %ne3A = vector.broadcast %sign3A_32 : i32 to vector<16xi32>
      %ne3A_33 = arith.cmpi ne, %sign3A_25, %ne3A : vector<16xi32>
      %rem3A = vector.broadcast %jit3A : i32 to vector<16xi32>
      %rem3A_34 = arith.remsi %add3A_16, %rem3A : vector<16xi32>
      %ne3A_35 = arith.constant 0 : i32
      %ne3A_36 = vector.broadcast %ne3A_35 : i32 to vector<16xi32>
      %ne3A_37 = arith.cmpi ne, %rem3A_34, %ne3A_36 : vector<16xi32>
      %and3A = arith.andi %ne3A_33, %ne3A_37 : vector<16xi1>
      %sub3A = arith.constant 1 : i32
      %sub3A_38 = vector.broadcast %sub3A : i32 to vector<16xi32>
      %sub3A_39 = arith.subi %div3A_17, %sub3A_38 : vector<16xi32>
      %select_n3A = arith.select %and3A, %sub3A_39, %div3A_17 : vector<16xi1>, vector<16xi32>
      %cumsum3A = arith.constant true
      %cumsum3A_40 = vector.broadcast %cumsum3A : i1 to vector<16xi1>
      %cumsum3A_41 = tpu.scan <sum>, %select_n3A masked %cumsum3A_40 : vector<16xi32>, vector<16xi1> -> vector<16xi32>
      %add3A_42 = arith.constant 0 : i32
      %add3A_43 = vector.broadcast %add3A_42 : i32 to vector<16xi32>
      %add3A_44 = arith.addi %cumsum3A_41, %add3A_43 : vector<16xi32>
      %slice3A = vector.extract_strided_slice %add3A_44 {offsets = [15], sizes = [1], strides = [1]} : vector<16xi32> to vector<1xi32>
      %squeeze3A = vector.extract %slice3A[0] : i32 from vector<1xi32>
      %swap3A = arith.constant 0 : index
      %swap3A_45 = tpu.vector_load %arg10[%swap3A] {strides = array<i32>} : memref<64xi32, #tpu.memory_space<vmem>>, vector<16xi32>,
      tpu.vector_store %arg10[%swap3A], %add3A_44 {strides = array<i32>} : memref<64xi32, #tpu.memory_space<vmem>>, vector<16xi32>,
      %sub3A_46 = arith.subi %add3A_44, %select_n3A : vector<16xi32>
      %mul3A_47 = arith.constant 64 : i32
      %mul3A_48 = vector.broadcast %mul3A_47 : i32 to vector<16xi32>
      %mul3A_49 = arith.muli %sub3A_46, %mul3A_48 : vector<16xi32>
      %swap3A_50 = arith.constant 0 : index
      %swap3A_51 = tpu.vector_load %arg9[%swap3A_50] {strides = array<i32>} : memref<64xi32, #tpu.memory_space<vmem>>, vector<16xi32>,
      tpu.vector_store %arg9[%swap3A_50], %mul3A_49 {strides = array<i32>} : memref<64xi32, #tpu.memory_space<vmem>>, vector<16xi32>,
      %get3A_52 = arith.constant 16 : index
      %get3A_53 = tpu.vector_load %arg8[%get3A_52] {strides = array<i32>} : memref<64xi32, #tpu.memory_space<vmem>>, vector<16xi32>,
      %add3A_54 = arith.constant 63 : i32
      %add3A_55 = vector.broadcast %add3A_54 : i32 to vector<16xi32>
      %add3A_56 = arith.addi %get3A_53, %add3A_55 : vector<16xi32>
      %jit3A_57 = arith.constant 64 : i32
      %div3A_58 = vector.broadcast %jit3A_57 : i32 to vector<16xi32>
      %div3A_59 = arith.divsi %add3A_56, %div3A_58 : vector<16xi32>
      %sign3A_60 = arith.constant 0 : i32
      %sign3A_61 = vector.broadcast %sign3A_60 : i32 to vector<16xi32>
      %sign3A_62 = arith.cmpi sgt, %add3A_56, %sign3A_61 : vector<16xi32>
      %sign3A_63 = arith.extui %sign3A_62 : vector<16xi1> to vector<16xi32>
      %sign3A_64 = arith.constant 0 : i32
      %sign3A_65 = vector.broadcast %sign3A_64 : i32 to vector<16xi32>
      %sign3A_66 = arith.cmpi slt, %add3A_56, %sign3A_65 : vector<16xi32>
      %sign3A_67 = arith.extui %sign3A_66 : vector<16xi1> to vector<16xi32>
      %sign3A_68 = arith.subi %sign3A_63, %sign3A_67 : vector<16xi32>
      %sign3A_69 = arith.constant 0 : i32
      %sign3A_70 = arith.cmpi sgt, %jit3A_57, %sign3A_69 : i32
      %sign3A_71 = arith.extui %sign3A_70 : i1 to i32
      %sign3A_72 = arith.constant 0 : i32
      %sign3A_73 = arith.cmpi slt, %jit3A_57, %sign3A_72 : i32
      %sign3A_74 = arith.extui %sign3A_73 : i1 to i32
      %sign3A_75 = arith.subi %sign3A_71, %sign3A_74 : i32
      %ne3A_76 = vector.broadcast %sign3A_75 : i32 to vector<16xi32>
      %ne3A_77 = arith.cmpi ne, %sign3A_68, %ne3A_76 : vector<16xi32>
      %rem3A_78 = vector.broadcast %jit3A_57 : i32 to vector<16xi32>
      %rem3A_79 = arith.remsi %add3A_56, %rem3A_78 : vector<16xi32>
      %ne3A_80 = arith.constant 0 : i32
      %ne3A_81 = vector.broadcast %ne3A_80 : i32 to vector<16xi32>
      %ne3A_82 = arith.cmpi ne, %rem3A_79, %ne3A_81 : vector<16xi32>
      %and3A_83 = arith.andi %ne3A_77, %ne3A_82 : vector<16xi1>
      %sub3A_84 = arith.constant 1 : i32
      %sub3A_85 = vector.broadcast %sub3A_84 : i32 to vector<16xi32>
      %sub3A_86 = arith.subi %div3A_59, %sub3A_85 : vector<16xi32>
      %select_n3A_87 = arith.select %and3A_83, %sub3A_86, %div3A_59 : vector<16xi1>, vector<16xi32>
      %cumsum3A_88 = arith.constant true
      %cumsum3A_89 = vector.broadcast %cumsum3A_88 : i1 to vector<16xi1>
      %cumsum3A_90 = tpu.scan <sum>, %select_n3A_87 masked %cumsum3A_89 : vector<16xi32>, vector<16xi1> -> vector<16xi32>
      %add3A_91 = vector.broadcast %squeeze3A : i32 to vector<16xi32>
      %add3A_92 = arith.addi %cumsum3A_90, %add3A_91 : vector<16xi32>
      %slice3A_93 = vector.extract_strided_slice %add3A_92 {offsets = [15], sizes = [1], strides = [1]} : vector<16xi32> to vector<1xi32>
      %squeeze3A_94 = vector.extract %slice3A_93[0] : i32 from vector<1xi32>
      %swap3A_95 = arith.constant 16 : index
      %swap3A_96 = tpu.vector_load %arg10[%swap3A_95] {strides = array<i32>} : memref<64xi32, #tpu.memory_space<vmem>>, vector<16xi32>,
      tpu.vector_store %arg10[%swap3A_95], %add3A_92 {strides = array<i32>} : memref<64xi32, #tpu.memory_space<vmem>>, vector<16xi32>,
      %sub3A_97 = arith.subi %add3A_92, %select_n3A_87 : vector<16xi32>
      %mul3A_98 = arith.constant 64 : i32
      %mul3A_99 = vector.broadcast %mul3A_98 : i32 to vector<16xi32>
      %mul3A_100 = arith.muli %sub3A_97, %mul3A_99 : vector<16xi32>
      %swap3A_101 = arith.constant 16 : index
      %swap3A_102 = tpu.vector_load %arg9[%swap3A_101] {strides = array<i32>} : memref<64xi32, #tpu.memory_space<vmem>>, vector<16xi32>,
      tpu.vector_store %arg9[%swap3A_101], %mul3A_100 {strides = array<i32>} : memref<64xi32, #tpu.memory_space<vmem>>, vector<16xi32>,
      %get3A_103 = arith.constant 32 : index
      %get3A_104 = tpu.vector_load %arg8[%get3A_103] {strides = array<i32>} : memref<64xi32, #tpu.memory_space<vmem>>, vector<16xi32>,
      %add3A_105 = arith.constant 63 : i32
      %add3A_106 = vector.broadcast %add3A_105 : i32 to vector<16xi32>
      %add3A_107 = arith.addi %get3A_104, %add3A_106 : vector<16xi32>
      %jit3A_108 = arith.constant 64 : i32
      %div3A_109 = vector.broadcast %jit3A_108 : i32 to vector<16xi32>
      %div3A_110 = arith.divsi %add3A_107, %div3A_109 : vector<16xi32>
      %sign3A_111 = arith.constant 0 : i32
      %sign3A_112 = vector.broadcast %sign3A_111 : i32 to vector<16xi32>
      %sign3A_113 = arith.cmpi sgt, %add3A_107, %sign3A_112 : vector<16xi32>
      %sign3A_114 = arith.extui %sign3A_113 : vector<16xi1> to vector<16xi32>
      %sign3A_115 = arith.constant 0 : i32
      %sign3A_116 = vector.broadcast %sign3A_115 : i32 to vector<16xi32>
      %sign3A_117 = arith.cmpi slt, %add3A_107, %sign3A_116 : vector<16xi32>
      %sign3A_118 = arith.extui %sign3A_117 : vector<16xi1> to vector<16xi32>
      %sign3A_119 = arith.subi %sign3A_114, %sign3A_118 : vector<16xi32>
      %sign3A_120 = arith.constant 0 : i32
      %sign3A_121 = arith.cmpi sgt, %jit3A_108, %sign3A_120 : i32
      %sign3A_122 = arith.extui %sign3A_121 : i1 to i32
      %sign3A_123 = arith.constant 0 : i32
      %sign3A_124 = arith.cmpi slt, %jit3A_108, %sign3A_123 : i32
      %sign3A_125 = arith.extui %sign3A_124 : i1 to i32
      %sign3A_126 = arith.subi %sign3A_122, %sign3A_125 : i32
      %ne3A_127 = vector.broadcast %sign3A_126 : i32 to vector<16xi32>
      %ne3A_128 = arith.cmpi ne, %sign3A_119, %ne3A_127 : vector<16xi32>
      %rem3A_129 = vector.broadcast %jit3A_108 : i32 to vector<16xi32>
      %rem3A_130 = arith.remsi %add3A_107, %rem3A_129 : vector<16xi32>
      %ne3A_131 = arith.constant 0 : i32
      %ne3A_132 = vector.broadcast %ne3A_131 : i32 to vector<16xi32>
      %ne3A_133 = arith.cmpi ne, %rem3A_130, %ne3A_132 : vector<16xi32>
      %and3A_134 = arith.andi %ne3A_128, %ne3A_133 : vector<16xi1>
      %sub3A_135 = arith.constant 1 : i32
      %sub3A_136 = vector.broadcast %sub3A_135 : i32 to vector<16xi32>
      %sub3A_137 = arith.subi %div3A_110, %sub3A_136 : vector<16xi32>
      %select_n3A_138 = arith.select %and3A_134, %sub3A_137, %div3A_110 : vector<16xi1>, vector<16xi32>
      %cumsum3A_139 = arith.constant true
      %cumsum3A_140 = vector.broadcast %cumsum3A_139 : i1 to vector<16xi1>
      %cumsum3A_141 = tpu.scan <sum>, %select_n3A_138 masked %cumsum3A_140 : vector<16xi32>, vector<16xi1> -> vector<16xi32>
      %add3A_142 = vector.broadcast %squeeze3A_94 : i32 to vector<16xi32>
      %add3A_143 = arith.addi %cumsum3A_141, %add3A_142 : vector<16xi32>
      %slice3A_144 = vector.extract_strided_slice %add3A_143 {offsets = [15], sizes = [1], strides = [1]} : vector<16xi32> to vector<1xi32>
      %squeeze3A_145 = vector.extract %slice3A_144[0] : i32 from vector<1xi32>
      %swap3A_146 = arith.constant 32 : index
      %swap3A_147 = tpu.vector_load %arg10[%swap3A_146] {strides = array<i32>} : memref<64xi32, #tpu.memory_space<vmem>>, vector<16xi32>,
      tpu.vector_store %arg10[%swap3A_146], %add3A_143 {strides = array<i32>} : memref<64xi32, #tpu.memory_space<vmem>>, vector<16xi32>,
      %sub3A_148 = arith.subi %add3A_143, %select_n3A_138 : vector<16xi32>
      %mul3A_149 = arith.constant 64 : i32
      %mul3A_150 = vector.broadcast %mul3A_149 : i32 to vector<16xi32>
      %mul3A_151 = arith.muli %sub3A_148, %mul3A_150 : vector<16xi32>
      %swap3A_152 = arith.constant 32 : index
      %swap3A_153 = tpu.vector_load %arg9[%swap3A_152] {strides = array<i32>} : memref<64xi32, #tpu.memory_space<vmem>>, vector<16xi32>,
      tpu.vector_store %arg9[%swap3A_152], %mul3A_151 {strides = array<i32>} : memref<64xi32, #tpu.memory_space<vmem>>, vector<16xi32>,
      %get3A_154 = arith.constant 48 : index
      %get3A_155 = tpu.vector_load %arg8[%get3A_154] {strides = array<i32>} : memref<64xi32, #tpu.memory_space<vmem>>, vector<16xi32>,
      %add3A_156 = arith.constant 63 : i32
      %add3A_157 = vector.broadcast %add3A_156 : i32 to vector<16xi32>
      %add3A_158 = arith.addi %get3A_155, %add3A_157 : vector<16xi32>
      %jit3A_159 = arith.constant 64 : i32
      %div3A_160 = vector.broadcast %jit3A_159 : i32 to vector<16xi32>
      %div3A_161 = arith.divsi %add3A_158, %div3A_160 : vector<16xi32>
      %sign3A_162 = arith.constant 0 : i32
      %sign3A_163 = vector.broadcast %sign3A_162 : i32 to vector<16xi32>
      %sign3A_164 = arith.cmpi sgt, %add3A_158, %sign3A_163 : vector<16xi32>
      %sign3A_165 = arith.extui %sign3A_164 : vector<16xi1> to vector<16xi32>
      %sign3A_166 = arith.constant 0 : i32
      %sign3A_167 = vector.broadcast %sign3A_166 : i32 to vector<16xi32>
      %sign3A_168 = arith.cmpi slt, %add3A_158, %sign3A_167 : vector<16xi32>
      %sign3A_169 = arith.extui %sign3A_168 : vector<16xi1> to vector<16xi32>
      %sign3A_170 = arith.subi %sign3A_165, %sign3A_169 : vector<16xi32>
      %sign3A_171 = arith.constant 0 : i32
      %sign3A_172 = arith.cmpi sgt, %jit3A_159, %sign3A_171 : i32
      %sign3A_173 = arith.extui %sign3A_172 : i1 to i32
      %sign3A_174 = arith.constant 0 : i32
      %sign3A_175 = arith.cmpi slt, %jit3A_159, %sign3A_174 : i32
      %sign3A_176 = arith.extui %sign3A_175 : i1 to i32
      %sign3A_177 = arith.subi %sign3A_173, %sign3A_176 : i32
      %ne3A_178 = vector.broadcast %sign3A_177 : i32 to vector<16xi32>
      %ne3A_179 = arith.cmpi ne, %sign3A_170, %ne3A_178 : vector<16xi32>
      %rem3A_180 = vector.broadcast %jit3A_159 : i32 to vector<16xi32>
      %rem3A_181 = arith.remsi %add3A_158, %rem3A_180 : vector<16xi32>
      %ne3A_182 = arith.constant 0 : i32
      %ne3A_183 = vector.broadcast %ne3A_182 : i32 to vector<16xi32>
      %ne3A_184 = arith.cmpi ne, %rem3A_181, %ne3A_183 : vector<16xi32>
      %and3A_185 = arith.andi %ne3A_179, %ne3A_184 : vector<16xi1>
      %sub3A_186 = arith.constant 1 : i32
      %sub3A_187 = vector.broadcast %sub3A_186 : i32 to vector<16xi32>
      %sub3A_188 = arith.subi %div3A_161, %sub3A_187 : vector<16xi32>
      %select_n3A_189 = arith.select %and3A_185, %sub3A_188, %div3A_161 : vector<16xi1>, vector<16xi32>
      %cumsum3A_190 = arith.constant true
      %cumsum3A_191 = vector.broadcast %cumsum3A_190 : i1 to vector<16xi1>
      %cumsum3A_192 = tpu.scan <sum>, %select_n3A_189 masked %cumsum3A_191 : vector<16xi32>, vector<16xi1> -> vector<16xi32>
      %add3A_193 = vector.broadcast %squeeze3A_145 : i32 to vector<16xi32>
      %add3A_194 = arith.addi %cumsum3A_192, %add3A_193 : vector<16xi32>
      %slice3A_195 = vector.extract_strided_slice %add3A_194 {offsets = [15], sizes = [1], strides = [1]} : vector<16xi32> to vector<1xi32>
      %squeeze3A_196 = vector.extract %slice3A_195[0] : i32 from vector<1xi32>
      %swap3A_197 = arith.constant 48 : index
      %swap3A_198 = tpu.vector_load %arg10[%swap3A_197] {strides = array<i32>} : memref<64xi32, #tpu.memory_space<vmem>>, vector<16xi32>,
      tpu.vector_store %arg10[%swap3A_197], %add3A_194 {strides = array<i32>} : memref<64xi32, #tpu.memory_space<vmem>>, vector<16xi32>,
      %sub3A_199 = arith.subi %add3A_194, %select_n3A_189 : vector<16xi32>
      %mul3A_200 = arith.constant 64 : i32
      %mul3A_201 = vector.broadcast %mul3A_200 : i32 to vector<16xi32>
      %mul3A_202 = arith.muli %sub3A_199, %mul3A_201 : vector<16xi32>
      %swap3A_203 = arith.constant 48 : index
      %swap3A_204 = tpu.vector_load %arg9[%swap3A_203] {strides = array<i32>} : memref<64xi32, #tpu.memory_space<vmem>>, vector<16xi32>,
      tpu.vector_store %arg9[%swap3A_203], %mul3A_202 {strides = array<i32>} : memref<64xi32, #tpu.memory_space<vmem>>, vector<16xi32>,
      %swap3A_205 = arith.constant 0 : index
      %swap3A_206 = tpu.vector_load %arg11[%swap3A_205] {strides = array<i32>} : memref<96xi32, #tpu.memory_space<vmem>>, vector<16xi32>,
      tpu.vector_store %arg11[%swap3A_205], %broadcast_in_dim3A_3 {strides = array<i32>} : memref<96xi32, #tpu.memory_space<vmem>>, vector<16xi32>,
      %swap3A_207 = arith.constant 16 : index
      %swap3A_208 = tpu.vector_load %arg11[%swap3A_207] {strides = array<i32>} : memref<96xi32, #tpu.memory_space<vmem>>, vector<16xi32>,
      tpu.vector_store %arg11[%swap3A_207], %broadcast_in_dim3A_3 {strides = array<i32>} : memref<96xi32, #tpu.memory_space<vmem>>, vector<16xi32>,
      %swap3A_209 = arith.constant 32 : index
      %swap3A_210 = tpu.vector_load %arg11[%swap3A_209] {strides = array<i32>} : memref<96xi32, #tpu.memory_space<vmem>>, vector<16xi32>,
      tpu.vector_store %arg11[%swap3A_209], %broadcast_in_dim3A_3 {strides = array<i32>} : memref<96xi32, #tpu.memory_space<vmem>>, vector<16xi32>,
      %swap3A_211 = arith.constant 48 : index
      %swap3A_212 = tpu.vector_load %arg11[%swap3A_211] {strides = array<i32>} : memref<96xi32, #tpu.memory_space<vmem>>, vector<16xi32>,
      tpu.vector_store %arg11[%swap3A_211], %broadcast_in_dim3A_3 {strides = array<i32>} : memref<96xi32, #tpu.memory_space<vmem>>, vector<16xi32>,
      %swap3A_213 = arith.constant 64 : index
      %swap3A_214 = tpu.vector_load %arg11[%swap3A_213] {strides = array<i32>} : memref<96xi32, #tpu.memory_space<vmem>>, vector<16xi32>,
      tpu.vector_store %arg11[%swap3A_213], %broadcast_in_dim3A_3 {strides = array<i32>} : memref<96xi32, #tpu.memory_space<vmem>>, vector<16xi32>,
      %swap3A_215 = arith.constant 80 : index
      %swap3A_216 = tpu.vector_load %arg11[%swap3A_215] {strides = array<i32>} : memref<96xi32, #tpu.memory_space<vmem>>, vector<16xi32>,
      tpu.vector_store %arg11[%swap3A_215], %broadcast_in_dim3A_3 {strides = array<i32>} : memref<96xi32, #tpu.memory_space<vmem>>, vector<16xi32>,
      %get3A_217 = arith.constant 0 : index
      %get3A_218 = tpu.vector_load %arg8[%get3A_217] {strides = array<i32>} : memref<64xi32, #tpu.memory_space<vmem>>, vector<16xi32>,
      %add3A_219 = arith.constant 63 : i32
      %add3A_220 = vector.broadcast %add3A_219 : i32 to vector<16xi32>
      %add3A_221 = arith.addi %get3A_218, %add3A_220 : vector<16xi32>
      %jit3A_222 = arith.constant 64 : i32
      %div3A_223 = vector.broadcast %jit3A_222 : i32 to vector<16xi32>
      %div3A_224 = arith.divsi %add3A_221, %div3A_223 : vector<16xi32>
      %sign3A_225 = arith.constant 0 : i32
      %sign3A_226 = vector.broadcast %sign3A_225 : i32 to vector<16xi32>
      %sign3A_227 = arith.cmpi sgt, %add3A_221, %sign3A_226 : vector<16xi32>
      %sign3A_228 = arith.extui %sign3A_227 : vector<16xi1> to vector<16xi32>
      %sign3A_229 = arith.constant 0 : i32
      %sign3A_230 = vector.broadcast %sign3A_229 : i32 to vector<16xi32>
      %sign3A_231 = arith.cmpi slt, %add3A_221, %sign3A_230 : vector<16xi32>
      %sign3A_232 = arith.extui %sign3A_231 : vector<16xi1> to vector<16xi32>
      %sign3A_233 = arith.subi %sign3A_228, %sign3A_232 : vector<16xi32>
      %sign3A_234 = arith.constant 0 : i32
      %sign3A_235 = arith.cmpi sgt, %jit3A_222, %sign3A_234 : i32
      %sign3A_236 = arith.extui %sign3A_235 : i1 to i32
      %sign3A_237 = arith.constant 0 : i32
      %sign3A_238 = arith.cmpi slt, %jit3A_222, %sign3A_237 : i32
      %sign3A_239 = arith.extui %sign3A_238 : i1 to i32
      %sign3A_240 = arith.subi %sign3A_236, %sign3A_239 : i32
      %ne3A_241 = vector.broadcast %sign3A_240 : i32 to vector<16xi32>
      %ne3A_242 = arith.cmpi ne, %sign3A_233, %ne3A_241 : vector<16xi32>
      %rem3A_243 = vector.broadcast %jit3A_222 : i32 to vector<16xi32>
      %rem3A_244 = arith.remsi %add3A_221, %rem3A_243 : vector<16xi32>
      %ne3A_245 = arith.constant 0 : i32
      %ne3A_246 = vector.broadcast %ne3A_245 : i32 to vector<16xi32>
      %ne3A_247 = arith.cmpi ne, %rem3A_244, %ne3A_246 : vector<16xi32>
      %and3A_248 = arith.andi %ne3A_242, %ne3A_247 : vector<16xi1>
      %sub3A_249 = arith.constant 1 : i32
      %sub3A_250 = vector.broadcast %sub3A_249 : i32 to vector<16xi32>
      %sub3A_251 = arith.subi %div3A_224, %sub3A_250 : vector<16xi32>
      %select_n3A_252 = arith.select %and3A_248, %sub3A_251, %div3A_224 : vector<16xi1>, vector<16xi32>
      %get3A_253 = arith.constant 0 : index
      %get3A_254 = tpu.vector_load %arg10[%get3A_253] {strides = array<i32>} : memref<64xi32, #tpu.memory_space<vmem>>, vector<16xi32>,
      %iota3A = tpu.iota {dimensions = array<i32: 0>} : vector<16xi32>
      %add3A_255 = arith.constant 0 : i32
      %add3A_256 = vector.broadcast %add3A_255 : i32 to vector<16xi32>
      %add3A_257 = arith.addi %add3A_256, %iota3A : vector<16xi32>
      %sub3A_258 = arith.subi %get3A_254, %select_n3A_252 : vector<16xi32>
      %gt3A = arith.constant 0 : i32
      %gt3A_259 = vector.broadcast %gt3A : i32 to vector<16xi32>
      %gt3A_260 = arith.cmpi sgt, %select_n3A_252, %gt3A_259 : vector<16xi32>
      tpu.vector_store_idx %arg11[%sub3A_258], %add3A_257 masked %gt3A_260 : memref<96xi32, #tpu.memory_space<vmem>>[vector<16xi32>], vector<16xi32>, vector<16xi1>
      %get3A_261 = arith.constant 16 : index
      %get3A_262 = tpu.vector_load %arg8[%get3A_261] {strides = array<i32>} : memref<64xi32, #tpu.memory_space<vmem>>, vector<16xi32>,
      %add3A_263 = arith.constant 63 : i32
      %add3A_264 = vector.broadcast %add3A_263 : i32 to vector<16xi32>
      %add3A_265 = arith.addi %get3A_262, %add3A_264 : vector<16xi32>
      %jit3A_266 = arith.constant 64 : i32
      %div3A_267 = vector.broadcast %jit3A_266 : i32 to vector<16xi32>
      %div3A_268 = arith.divsi %add3A_265, %div3A_267 : vector<16xi32>
      %sign3A_269 = arith.constant 0 : i32
      %sign3A_270 = vector.broadcast %sign3A_269 : i32 to vector<16xi32>
      %sign3A_271 = arith.cmpi sgt, %add3A_265, %sign3A_270 : vector<16xi32>
      %sign3A_272 = arith.extui %sign3A_271 : vector<16xi1> to vector<16xi32>
      %sign3A_273 = arith.constant 0 : i32
      %sign3A_274 = vector.broadcast %sign3A_273 : i32 to vector<16xi32>
      %sign3A_275 = arith.cmpi slt, %add3A_265, %sign3A_274 : vector<16xi32>
      %sign3A_276 = arith.extui %sign3A_275 : vector<16xi1> to vector<16xi32>
      %sign3A_277 = arith.subi %sign3A_272, %sign3A_276 : vector<16xi32>
      %sign3A_278 = arith.constant 0 : i32
      %sign3A_279 = arith.cmpi sgt, %jit3A_266, %sign3A_278 : i32
      %sign3A_280 = arith.extui %sign3A_279 : i1 to i32
      %sign3A_281 = arith.constant 0 : i32
      %sign3A_282 = arith.cmpi slt, %jit3A_266, %sign3A_281 : i32
      %sign3A_283 = arith.extui %sign3A_282 : i1 to i32
      %sign3A_284 = arith.subi %sign3A_280, %sign3A_283 : i32
      %ne3A_285 = vector.broadcast %sign3A_284 : i32 to vector<16xi32>
      %ne3A_286 = arith.cmpi ne, %sign3A_277, %ne3A_285 : vector<16xi32>
      %rem3A_287 = vector.broadcast %jit3A_266 : i32 to vector<16xi32>
      %rem3A_288 = arith.remsi %add3A_265, %rem3A_287 : vector<16xi32>
      %ne3A_289 = arith.constant 0 : i32
      %ne3A_290 = vector.broadcast %ne3A_289 : i32 to vector<16xi32>
      %ne3A_291 = arith.cmpi ne, %rem3A_288, %ne3A_290 : vector<16xi32>
      %and3A_292 = arith.andi %ne3A_286, %ne3A_291 : vector<16xi1>
      %sub3A_293 = arith.constant 1 : i32
      %sub3A_294 = vector.broadcast %sub3A_293 : i32 to vector<16xi32>
      %sub3A_295 = arith.subi %div3A_268, %sub3A_294 : vector<16xi32>
      %select_n3A_296 = arith.select %and3A_292, %sub3A_295, %div3A_268 : vector<16xi1>, vector<16xi32>
      %get3A_297 = arith.constant 16 : index
      %get3A_298 = tpu.vector_load %arg10[%get3A_297] {strides = array<i32>} : memref<64xi32, #tpu.memory_space<vmem>>, vector<16xi32>,
      %iota3A_299 = tpu.iota {dimensions = array<i32: 0>} : vector<16xi32>
      %add3A_300 = arith.constant 16 : i32
      %add3A_301 = vector.broadcast %add3A_300 : i32 to vector<16xi32>
      %add3A_302 = arith.addi %add3A_301, %iota3A_299 : vector<16xi32>
      %sub3A_303 = arith.subi %get3A_298, %select_n3A_296 : vector<16xi32>
      %gt3A_304 = arith.constant 0 : i32
      %gt3A_305 = vector.broadcast %gt3A_304 : i32 to vector<16xi32>
      %gt3A_306 = arith.cmpi sgt, %select_n3A_296, %gt3A_305 : vector<16xi32>
      tpu.vector_store_idx %arg11[%sub3A_303], %add3A_302 masked %gt3A_306 : memref<96xi32, #tpu.memory_space<vmem>>[vector<16xi32>], vector<16xi32>, vector<16xi1>
      %get3A_307 = arith.constant 32 : index
      %get3A_308 = tpu.vector_load %arg8[%get3A_307] {strides = array<i32>} : memref<64xi32, #tpu.memory_space<vmem>>, vector<16xi32>,
      %add3A_309 = arith.constant 63 : i32
      %add3A_310 = vector.broadcast %add3A_309 : i32 to vector<16xi32>
      %add3A_311 = arith.addi %get3A_308, %add3A_310 : vector<16xi32>
      %jit3A_312 = arith.constant 64 : i32
      %div3A_313 = vector.broadcast %jit3A_312 : i32 to vector<16xi32>
      %div3A_314 = arith.divsi %add3A_311, %div3A_313 : vector<16xi32>
      %sign3A_315 = arith.constant 0 : i32
      %sign3A_316 = vector.broadcast %sign3A_315 : i32 to vector<16xi32>
      %sign3A_317 = arith.cmpi sgt, %add3A_311, %sign3A_316 : vector<16xi32>
      %sign3A_318 = arith.extui %sign3A_317 : vector<16xi1> to vector<16xi32>
      %sign3A_319 = arith.constant 0 : i32
      %sign3A_320 = vector.broadcast %sign3A_319 : i32 to vector<16xi32>
      %sign3A_321 = arith.cmpi slt, %add3A_311, %sign3A_320 : vector<16xi32>
      %sign3A_322 = arith.extui %sign3A_321 : vector<16xi1> to vector<16xi32>
      %sign3A_323 = arith.subi %sign3A_318, %sign3A_322 : vector<16xi32>
      %sign3A_324 = arith.constant 0 : i32
      %sign3A_325 = arith.cmpi sgt, %jit3A_312, %sign3A_324 : i32
      %sign3A_326 = arith.extui %sign3A_325 : i1 to i32
      %sign3A_327 = arith.constant 0 : i32
      %sign3A_328 = arith.cmpi slt, %jit3A_312, %sign3A_327 : i32
      %sign3A_329 = arith.extui %sign3A_328 : i1 to i32
      %sign3A_330 = arith.subi %sign3A_326, %sign3A_329 : i32
      %ne3A_331 = vector.broadcast %sign3A_330 : i32 to vector<16xi32>
      %ne3A_332 = arith.cmpi ne, %sign3A_323, %ne3A_331 : vector<16xi32>
      %rem3A_333 = vector.broadcast %jit3A_312 : i32 to vector<16xi32>
      %rem3A_334 = arith.remsi %add3A_311, %rem3A_333 : vector<16xi32>
      %ne3A_335 = arith.constant 0 : i32
      %ne3A_336 = vector.broadcast %ne3A_335 : i32 to vector<16xi32>
      %ne3A_337 = arith.cmpi ne, %rem3A_334, %ne3A_336 : vector<16xi32>
      %and3A_338 = arith.andi %ne3A_332, %ne3A_337 : vector<16xi1>
      %sub3A_339 = arith.constant 1 : i32
      %sub3A_340 = vector.broadcast %sub3A_339 : i32 to vector<16xi32>
      %sub3A_341 = arith.subi %div3A_314, %sub3A_340 : vector<16xi32>
      %select_n3A_342 = arith.select %and3A_338, %sub3A_341, %div3A_314 : vector<16xi1>, vector<16xi32>
      %get3A_343 = arith.constant 32 : index
      %get3A_344 = tpu.vector_load %arg10[%get3A_343] {strides = array<i32>} : memref<64xi32, #tpu.memory_space<vmem>>, vector<16xi32>,
      %iota3A_345 = tpu.iota {dimensions = array<i32: 0>} : vector<16xi32>
      %add3A_346 = arith.constant 32 : i32
      %add3A_347 = vector.broadcast %add3A_346 : i32 to vector<16xi32>
      %add3A_348 = arith.addi %add3A_347, %iota3A_345 : vector<16xi32>
      %sub3A_349 = arith.subi %get3A_344, %select_n3A_342 : vector<16xi32>
      %gt3A_350 = arith.constant 0 : i32
      %gt3A_351 = vector.broadcast %gt3A_350 : i32 to vector<16xi32>
      %gt3A_352 = arith.cmpi sgt, %select_n3A_342, %gt3A_351 : vector<16xi32>
      tpu.vector_store_idx %arg11[%sub3A_349], %add3A_348 masked %gt3A_352 : memref<96xi32, #tpu.memory_space<vmem>>[vector<16xi32>], vector<16xi32>, vector<16xi1>
      %get3A_353 = arith.constant 48 : index
      %get3A_354 = tpu.vector_load %arg8[%get3A_353] {strides = array<i32>} : memref<64xi32, #tpu.memory_space<vmem>>, vector<16xi32>,
      %add3A_355 = arith.constant 63 : i32
      %add3A_356 = vector.broadcast %add3A_355 : i32 to vector<16xi32>
      %add3A_357 = arith.addi %get3A_354, %add3A_356 : vector<16xi32>
      %jit3A_358 = arith.constant 64 : i32
      %div3A_359 = vector.broadcast %jit3A_358 : i32 to vector<16xi32>
      %div3A_360 = arith.divsi %add3A_357, %div3A_359 : vector<16xi32>
      %sign3A_361 = arith.constant 0 : i32
      %sign3A_362 = vector.broadcast %sign3A_361 : i32 to vector<16xi32>
      %sign3A_363 = arith.cmpi sgt, %add3A_357, %sign3A_362 : vector<16xi32>
      %sign3A_364 = arith.extui %sign3A_363 : vector<16xi1> to vector<16xi32>
      %sign3A_365 = arith.constant 0 : i32
      %sign3A_366 = vector.broadcast %sign3A_365 : i32 to vector<16xi32>
      %sign3A_367 = arith.cmpi slt, %add3A_357, %sign3A_366 : vector<16xi32>
      %sign3A_368 = arith.extui %sign3A_367 : vector<16xi1> to vector<16xi32>
      %sign3A_369 = arith.subi %sign3A_364, %sign3A_368 : vector<16xi32>
      %sign3A_370 = arith.constant 0 : i32
      %sign3A_371 = arith.cmpi sgt, %jit3A_358, %sign3A_370 : i32
      %sign3A_372 = arith.extui %sign3A_371 : i1 to i32
      %sign3A_373 = arith.constant 0 : i32
      %sign3A_374 = arith.cmpi slt, %jit3A_358, %sign3A_373 : i32
      %sign3A_375 = arith.extui %sign3A_374 : i1 to i32
      %sign3A_376 = arith.subi %sign3A_372, %sign3A_375 : i32
      %ne3A_377 = vector.broadcast %sign3A_376 : i32 to vector<16xi32>
      %ne3A_378 = arith.cmpi ne, %sign3A_369, %ne3A_377 : vector<16xi32>
      %rem3A_379 = vector.broadcast %jit3A_358 : i32 to vector<16xi32>
      %rem3A_380 = arith.remsi %add3A_357, %rem3A_379 : vector<16xi32>
      %ne3A_381 = arith.constant 0 : i32
      %ne3A_382 = vector.broadcast %ne3A_381 : i32 to vector<16xi32>
      %ne3A_383 = arith.cmpi ne, %rem3A_380, %ne3A_382 : vector<16xi32>
      %and3A_384 = arith.andi %ne3A_378, %ne3A_383 : vector<16xi1>
      %sub3A_385 = arith.constant 1 : i32
      %sub3A_386 = vector.broadcast %sub3A_385 : i32 to vector<16xi32>
      %sub3A_387 = arith.subi %div3A_360, %sub3A_386 : vector<16xi32>
      %select_n3A_388 = arith.select %and3A_384, %sub3A_387, %div3A_360 : vector<16xi1>, vector<16xi32>
      %get3A_389 = arith.constant 48 : index
      %get3A_390 = tpu.vector_load %arg10[%get3A_389] {strides = array<i32>} : memref<64xi32, #tpu.memory_space<vmem>>, vector<16xi32>,
      %iota3A_391 = tpu.iota {dimensions = array<i32: 0>} : vector<16xi32>
      %add3A_392 = arith.constant 48 : i32
      %add3A_393 = vector.broadcast %add3A_392 : i32 to vector<16xi32>
      %add3A_394 = arith.addi %add3A_393, %iota3A_391 : vector<16xi32>
      %sub3A_395 = arith.subi %get3A_390, %select_n3A_388 : vector<16xi32>
      %gt3A_396 = arith.constant 0 : i32
      %gt3A_397 = vector.broadcast %gt3A_396 : i32 to vector<16xi32>
      %gt3A_398 = arith.cmpi sgt, %select_n3A_388, %gt3A_397 : vector<16xi32>
      tpu.vector_store_idx %arg11[%sub3A_395], %add3A_394 masked %gt3A_398 : memref<96xi32, #tpu.memory_space<vmem>>[vector<16xi32>], vector<16xi32>, vector<16xi1>
      %iota3A_399 = tpu.iota {dimensions = array<i32: 0>} : vector<16xi32>
      %add3A_400 = arith.constant 0 : i32
      %add3A_401 = vector.broadcast %add3A_400 : i32 to vector<16xi32>
      %add3A_402 = arith.addi %add3A_401, %iota3A_399 : vector<16xi32>
      %get3A_403 = arith.constant 0 : index
      %get3A_404 = tpu.vector_load %arg11[%get3A_403] {strides = array<i32>} : memref<96xi32, #tpu.memory_space<vmem>>, vector<16xi32>,
      %broadcast_in_dim3A_405 = arith.constant true
      %broadcast_in_dim3A_406 = vector.broadcast %broadcast_in_dim3A_405 : i1 to vector<16xi1>
      %masked_cummax3A = arith.constant -2147483648 : i32
      %masked_cummax3A_407 = vector.broadcast %masked_cummax3A : i32 to vector<16xi32>
      %masked_cummax3A_408 = arith.xori %get3A_404, %masked_cummax3A_407 : vector<16xi32>
      %masked_cummax3A_409 = tpu.scan <max>, %masked_cummax3A_408 masked %broadcast_in_dim3A_406 : vector<16xi32>, vector<16xi1> -> vector<16xi32>
      %masked_cummax3A_410 = arith.xori %masked_cummax3A_409, %masked_cummax3A_407 : vector<16xi32>
      %max3A = arith.constant 0 : i32
      %max3A_411 = vector.broadcast %max3A : i32 to vector<16xi32>
      %max3A_412 = arith.maxsi %masked_cummax3A_410, %max3A_411 : vector<16xi32>
      %slice3A_413 = vector.extract_strided_slice %max3A_412 {offsets = [15], sizes = [1], strides = [1]} : vector<16xi32> to vector<1xi32>
      %squeeze3A_414 = vector.extract %slice3A_413[0] : i32 from vector<1xi32>
      %swap3A_415 = arith.constant 0 : index
      %swap3A_416 = tpu.vector_load %arg11[%swap3A_415] {strides = array<i32>} : memref<96xi32, #tpu.memory_space<vmem>>, vector<16xi32>,
      tpu.vector_store %arg11[%swap3A_415], %max3A_412 {strides = array<i32>} : memref<96xi32, #tpu.memory_space<vmem>>, vector<16xi32>,
      %lt3A = vector.broadcast %squeeze3A_196 : i32 to vector<16xi32>
      %lt3A_417 = arith.cmpi slt, %add3A_402, %lt3A : vector<16xi32>
      %convert_element_type3A_418 = arith.extui %lt3A_417 : vector<16xi1> to vector<16xi32>
      %swap3A_419 = arith.constant 0 : index
      %swap3A_420 = tpu.vector_load %arg12[%swap3A_419] {strides = array<i32>} : memref<96xi32, #tpu.memory_space<vmem>>, vector<16xi32>,
      tpu.vector_store %arg12[%swap3A_419], %convert_element_type3A_418 {strides = array<i32>} : memref<96xi32, #tpu.memory_space<vmem>>, vector<16xi32>,
      %iota3A_421 = tpu.iota {dimensions = array<i32: 0>} : vector<16xi32>
      %add3A_422 = arith.constant 16 : i32
      %add3A_423 = vector.broadcast %add3A_422 : i32 to vector<16xi32>
      %add3A_424 = arith.addi %add3A_423, %iota3A_421 : vector<16xi32>
      %get3A_425 = arith.constant 16 : index
      %get3A_426 = tpu.vector_load %arg11[%get3A_425] {strides = array<i32>} : memref<96xi32, #tpu.memory_space<vmem>>, vector<16xi32>,
      %broadcast_in_dim3A_427 = arith.constant true
      %broadcast_in_dim3A_428 = vector.broadcast %broadcast_in_dim3A_427 : i1 to vector<16xi1>
      %masked_cummax3A_429 = arith.constant -2147483648 : i32
      %masked_cummax3A_430 = vector.broadcast %masked_cummax3A_429 : i32 to vector<16xi32>
      %masked_cummax3A_431 = arith.xori %get3A_426, %masked_cummax3A_430 : vector<16xi32>
      %masked_cummax3A_432 = tpu.scan <max>, %masked_cummax3A_431 masked %broadcast_in_dim3A_428 : vector<16xi32>, vector<16xi1> -> vector<16xi32>
      %masked_cummax3A_433 = arith.xori %masked_cummax3A_432, %masked_cummax3A_430 : vector<16xi32>
      %max3A_434 = vector.broadcast %squeeze3A_414 : i32 to vector<16xi32>
      %max3A_435 = arith.maxsi %masked_cummax3A_433, %max3A_434 : vector<16xi32>
      %slice3A_436 = vector.extract_strided_slice %max3A_435 {offsets = [15], sizes = [1], strides = [1]} : vector<16xi32> to vector<1xi32>
      %squeeze3A_437 = vector.extract %slice3A_436[0] : i32 from vector<1xi32>
      %swap3A_438 = arith.constant 16 : index
      %swap3A_439 = tpu.vector_load %arg11[%swap3A_438] {strides = array<i32>} : memref<96xi32, #tpu.memory_space<vmem>>, vector<16xi32>,
      tpu.vector_store %arg11[%swap3A_438], %max3A_435 {strides = array<i32>} : memref<96xi32, #tpu.memory_space<vmem>>, vector<16xi32>,
      %lt3A_440 = vector.broadcast %squeeze3A_196 : i32 to vector<16xi32>
      %lt3A_441 = arith.cmpi slt, %add3A_424, %lt3A_440 : vector<16xi32>
      %convert_element_type3A_442 = arith.extui %lt3A_441 : vector<16xi1> to vector<16xi32>
      %swap3A_443 = arith.constant 16 : index
      %swap3A_444 = tpu.vector_load %arg12[%swap3A_443] {strides = array<i32>} : memref<96xi32, #tpu.memory_space<vmem>>, vector<16xi32>,
      tpu.vector_store %arg12[%swap3A_443], %convert_element_type3A_442 {strides = array<i32>} : memref<96xi32, #tpu.memory_space<vmem>>, vector<16xi32>,
      %iota3A_445 = tpu.iota {dimensions = array<i32: 0>} : vector<16xi32>
      %add3A_446 = arith.constant 32 : i32
      %add3A_447 = vector.broadcast %add3A_446 : i32 to vector<16xi32>
      %add3A_448 = arith.addi %add3A_447, %iota3A_445 : vector<16xi32>
      %get3A_449 = arith.constant 32 : index
      %get3A_450 = tpu.vector_load %arg11[%get3A_449] {strides = array<i32>} : memref<96xi32, #tpu.memory_space<vmem>>, vector<16xi32>,
      %broadcast_in_dim3A_451 = arith.constant true
      %broadcast_in_dim3A_452 = vector.broadcast %broadcast_in_dim3A_451 : i1 to vector<16xi1>
      %masked_cummax3A_453 = arith.constant -2147483648 : i32
      %masked_cummax3A_454 = vector.broadcast %masked_cummax3A_453 : i32 to vector<16xi32>
      %masked_cummax3A_455 = arith.xori %get3A_450, %masked_cummax3A_454 : vector<16xi32>
      %masked_cummax3A_456 = tpu.scan <max>, %masked_cummax3A_455 masked %broadcast_in_dim3A_452 : vector<16xi32>, vector<16xi1> -> vector<16xi32>
      %masked_cummax3A_457 = arith.xori %masked_cummax3A_456, %masked_cummax3A_454 : vector<16xi32>
      %max3A_458 = vector.broadcast %squeeze3A_437 : i32 to vector<16xi32>
      %max3A_459 = arith.maxsi %masked_cummax3A_457, %max3A_458 : vector<16xi32>
      %slice3A_460 = vector.extract_strided_slice %max3A_459 {offsets = [15], sizes = [1], strides = [1]} : vector<16xi32> to vector<1xi32>
      %squeeze3A_461 = vector.extract %slice3A_460[0] : i32 from vector<1xi32>
      %swap3A_462 = arith.constant 32 : index
      %swap3A_463 = tpu.vector_load %arg11[%swap3A_462] {strides = array<i32>} : memref<96xi32, #tpu.memory_space<vmem>>, vector<16xi32>,
      tpu.vector_store %arg11[%swap3A_462], %max3A_459 {strides = array<i32>} : memref<96xi32, #tpu.memory_space<vmem>>, vector<16xi32>,
      %lt3A_464 = vector.broadcast %squeeze3A_196 : i32 to vector<16xi32>
      %lt3A_465 = arith.cmpi slt, %add3A_448, %lt3A_464 : vector<16xi32>
      %convert_element_type3A_466 = arith.extui %lt3A_465 : vector<16xi1> to vector<16xi32>
      %swap3A_467 = arith.constant 32 : index
      %swap3A_468 = tpu.vector_load %arg12[%swap3A_467] {strides = array<i32>} : memref<96xi32, #tpu.memory_space<vmem>>, vector<16xi32>,
      tpu.vector_store %arg12[%swap3A_467], %convert_element_type3A_466 {strides = array<i32>} : memref<96xi32, #tpu.memory_space<vmem>>, vector<16xi32>,
      %iota3A_469 = tpu.iota {dimensions = array<i32: 0>} : vector<16xi32>
      %add3A_470 = arith.constant 48 : i32
      %add3A_471 = vector.broadcast %add3A_470 : i32 to vector<16xi32>
      %add3A_472 = arith.addi %add3A_471, %iota3A_469 : vector<16xi32>
      %get3A_473 = arith.constant 48 : index
      %get3A_474 = tpu.vector_load %arg11[%get3A_473] {strides = array<i32>} : memref<96xi32, #tpu.memory_space<vmem>>, vector<16xi32>,
      %broadcast_in_dim3A_475 = arith.constant true
      %broadcast_in_dim3A_476 = vector.broadcast %broadcast_in_dim3A_475 : i1 to vector<16xi1>
      %masked_cummax3A_477 = arith.constant -2147483648 : i32
      %masked_cummax3A_478 = vector.broadcast %masked_cummax3A_477 : i32 to vector<16xi32>
      %masked_cummax3A_479 = arith.xori %get3A_474, %masked_cummax3A_478 : vector<16xi32>
      %masked_cummax3A_480 = tpu.scan <max>, %masked_cummax3A_479 masked %broadcast_in_dim3A_476 : vector<16xi32>, vector<16xi1> -> vector<16xi32>
      %masked_cummax3A_481 = arith.xori %masked_cummax3A_480, %masked_cummax3A_478 : vector<16xi32>
      %max3A_482 = vector.broadcast %squeeze3A_461 : i32 to vector<16xi32>
      %max3A_483 = arith.maxsi %masked_cummax3A_481, %max3A_482 : vector<16xi32>
      %slice3A_484 = vector.extract_strided_slice %max3A_483 {offsets = [15], sizes = [1], strides = [1]} : vector<16xi32> to vector<1xi32>
      %squeeze3A_485 = vector.extract %slice3A_484[0] : i32 from vector<1xi32>
      %swap3A_486 = arith.constant 48 : index
      %swap3A_487 = tpu.vector_load %arg11[%swap3A_486] {strides = array<i32>} : memref<96xi32, #tpu.memory_space<vmem>>, vector<16xi32>,
      tpu.vector_store %arg11[%swap3A_486], %max3A_483 {strides = array<i32>} : memref<96xi32, #tpu.memory_space<vmem>>, vector<16xi32>,
      %lt3A_488 = vector.broadcast %squeeze3A_196 : i32 to vector<16xi32>
      %lt3A_489 = arith.cmpi slt, %add3A_472, %lt3A_488 : vector<16xi32>
      %convert_element_type3A_490 = arith.extui %lt3A_489 : vector<16xi1> to vector<16xi32>
      %swap3A_491 = arith.constant 48 : index
      %swap3A_492 = tpu.vector_load %arg12[%swap3A_491] {strides = array<i32>} : memref<96xi32, #tpu.memory_space<vmem>>, vector<16xi32>,
      tpu.vector_store %arg12[%swap3A_491], %convert_element_type3A_490 {strides = array<i32>} : memref<96xi32, #tpu.memory_space<vmem>>, vector<16xi32>,
      %iota3A_493 = tpu.iota {dimensions = array<i32: 0>} : vector<16xi32>
      %add3A_494 = arith.constant 64 : i32
      %add3A_495 = vector.broadcast %add3A_494 : i32 to vector<16xi32>
      %add3A_496 = arith.addi %add3A_495, %iota3A_493 : vector<16xi32>
      %get3A_497 = arith.constant 64 : index
      %get3A_498 = tpu.vector_load %arg11[%get3A_497] {strides = array<i32>} : memref<96xi32, #tpu.memory_space<vmem>>, vector<16xi32>,
      %broadcast_in_dim3A_499 = arith.constant true
      %broadcast_in_dim3A_500 = vector.broadcast %broadcast_in_dim3A_499 : i1 to vector<16xi1>
      %masked_cummax3A_501 = arith.constant -2147483648 : i32
      %masked_cummax3A_502 = vector.broadcast %masked_cummax3A_501 : i32 to vector<16xi32>
      %masked_cummax3A_503 = arith.xori %get3A_498, %masked_cummax3A_502 : vector<16xi32>
      %masked_cummax3A_504 = tpu.scan <max>, %masked_cummax3A_503 masked %broadcast_in_dim3A_500 : vector<16xi32>, vector<16xi1> -> vector<16xi32>
      %masked_cummax3A_505 = arith.xori %masked_cummax3A_504, %masked_cummax3A_502 : vector<16xi32>
      %max3A_506 = vector.broadcast %squeeze3A_485 : i32 to vector<16xi32>
      %max3A_507 = arith.maxsi %masked_cummax3A_505, %max3A_506 : vector<16xi32>
      %slice3A_508 = vector.extract_strided_slice %max3A_507 {offsets = [15], sizes = [1], strides = [1]} : vector<16xi32> to vector<1xi32>
      %squeeze3A_509 = vector.extract %slice3A_508[0] : i32 from vector<1xi32>
      %swap3A_510 = arith.constant 64 : index
      %swap3A_511 = tpu.vector_load %arg11[%swap3A_510] {strides = array<i32>} : memref<96xi32, #tpu.memory_space<vmem>>, vector<16xi32>,
      tpu.vector_store %arg11[%swap3A_510], %max3A_507 {strides = array<i32>} : memref<96xi32, #tpu.memory_space<vmem>>, vector<16xi32>,
      %lt3A_512 = vector.broadcast %squeeze3A_196 : i32 to vector<16xi32>
      %lt3A_513 = arith.cmpi slt, %add3A_496, %lt3A_512 : vector<16xi32>
      %convert_element_type3A_514 = arith.extui %lt3A_513 : vector<16xi1> to vector<16xi32>
      %swap3A_515 = arith.constant 64 : index
      %swap3A_516 = tpu.vector_load %arg12[%swap3A_515] {strides = array<i32>} : memref<96xi32, #tpu.memory_space<vmem>>, vector<16xi32>,
      tpu.vector_store %arg12[%swap3A_515], %convert_element_type3A_514 {strides = array<i32>} : memref<96xi32, #tpu.memory_space<vmem>>, vector<16xi32>,
      %iota3A_517 = tpu.iota {dimensions = array<i32: 0>} : vector<16xi32>
      %add3A_518 = arith.constant 80 : i32
      %add3A_519 = vector.broadcast %add3A_518 : i32 to vector<16xi32>
      %add3A_520 = arith.addi %add3A_519, %iota3A_517 : vector<16xi32>
      %get3A_521 = arith.constant 80 : index
      %get3A_522 = tpu.vector_load %arg11[%get3A_521] {strides = array<i32>} : memref<96xi32, #tpu.memory_space<vmem>>, vector<16xi32>,
      %broadcast_in_dim3A_523 = arith.constant true
      %broadcast_in_dim3A_524 = vector.broadcast %broadcast_in_dim3A_523 : i1 to vector<16xi1>
      %masked_cummax3A_525 = arith.constant -2147483648 : i32
      %masked_cummax3A_526 = vector.broadcast %masked_cummax3A_525 : i32 to vector<16xi32>
      %masked_cummax3A_527 = arith.xori %get3A_522, %masked_cummax3A_526 : vector<16xi32>
      %masked_cummax3A_528 = tpu.scan <max>, %masked_cummax3A_527 masked %broadcast_in_dim3A_524 : vector<16xi32>, vector<16xi1> -> vector<16xi32>
      %masked_cummax3A_529 = arith.xori %masked_cummax3A_528, %masked_cummax3A_526 : vector<16xi32>
      %max3A_530 = vector.broadcast %squeeze3A_509 : i32 to vector<16xi32>
      %max3A_531 = arith.maxsi %masked_cummax3A_529, %max3A_530 : vector<16xi32>
      %slice3A_532 = vector.extract_strided_slice %max3A_531 {offsets = [15], sizes = [1], strides = [1]} : vector<16xi32> to vector<1xi32>
      %squeeze3A_533 = vector.extract %slice3A_532[0] : i32 from vector<1xi32>
      %swap3A_534 = arith.constant 80 : index
      %swap3A_535 = tpu.vector_load %arg11[%swap3A_534] {strides = array<i32>} : memref<96xi32, #tpu.memory_space<vmem>>, vector<16xi32>,
      tpu.vector_store %arg11[%swap3A_534], %max3A_531 {strides = array<i32>} : memref<96xi32, #tpu.memory_space<vmem>>, vector<16xi32>,
      %lt3A_536 = vector.broadcast %squeeze3A_196 : i32 to vector<16xi32>
      %lt3A_537 = arith.cmpi slt, %add3A_520, %lt3A_536 : vector<16xi32>
      %convert_element_type3A_538 = arith.extui %lt3A_537 : vector<16xi1> to vector<16xi32>
      %swap3A_539 = arith.constant 80 : index
      %swap3A_540 = tpu.vector_load %arg12[%swap3A_539] {strides = array<i32>} : memref<96xi32, #tpu.memory_space<vmem>>, vector<16xi32>,
      tpu.vector_store %arg12[%swap3A_539], %convert_element_type3A_538 {strides = array<i32>} : memref<96xi32, #tpu.memory_space<vmem>>, vector<16xi32>,
      %scan3A_541 = arith.constant 0 : i32
      %scan3A_542 = arith.constant 128 : i32
      %scan3A_543 = arith.addi %scan3A_541, %scan3A_542 : i32
      %scan3A_544 = arith.constant 1 : i32
      scf.for %scan3A_546 = %scan3A_541 to %scan3A_543 step %scan3A_544  : i32 {
        %mul3A_547 = arith.constant 16 : i32
        %mul3A_548 = arith.muli %scan3A_546, %mul3A_547 : i32
        %add3A_549 = arith.constant 0 : i32
        %add3A_550 = arith.addi %add3A_549, %mul3A_548 : i32
        %get3A_551 = arith.index_cast %add3A_550 : i32 to index
        %get3A_552 = tpu.vector_load %arg6[%get3A_551] {strides = array<i32>} : memref<2048xi32, #tpu.memory_space<vmem>>, vector<16xi32>,
        %get3A_553 = arith.index_cast %add3A_550 : i32 to index
        %get3A_554 = tpu.vector_load %arg7[%get3A_553] {strides = array<i32>} : memref<2048xi32, #tpu.memory_space<vmem>>, vector<16xi32>,
        %gather3A = tpu.vector_load_idx %arg9[%get3A_552] : memref<64xi32, #tpu.memory_space<vmem>>[vector<16xi32>], vector<16xi32>,
        %add3A_555 = arith.addi %get3A_554, %gather3A : vector<16xi32>
        %swap3A_556 = arith.index_cast %add3A_550 : i32 to index
        %swap3A_557 = tpu.vector_load %arg7[%swap3A_556] {strides = array<i32>} : memref<2048xi32, #tpu.memory_space<vmem>>, vector<16xi32>,
        tpu.vector_store %arg7[%swap3A_556], %add3A_555 {strides = array<i32>} : memref<2048xi32, #tpu.memory_space<vmem>>, vector<16xi32>,
      }
      %scan3A_545 = arith.constant 128 : i32
      tpu.enqueue_dma source(%arg7 : memref<2048xi32, #tpu.memory_space<vmem>>) target(%arg3 : memref<2048xi32, #tpu.memory_space<hbm>>) target_semaphore(%arg13 : memref<!tpu.dma_semaphore, #tpu.memory_space<semaphore_mem>>)
      tpu.wait_dma2 semaphore(%arg13 : memref<!tpu.dma_semaphore, #tpu.memory_space<semaphore_mem>>) src(%arg7 : memref<2048xi32, #tpu.memory_space<vmem>>) dst(%arg3 : memref<2048xi32, #tpu.memory_space<hbm>>)
      tpu.enqueue_dma source(%arg11 : memref<96xi32, #tpu.memory_space<vmem>>) target(%arg4 : memref<96xi32, #tpu.memory_space<hbm>>) target_semaphore(%arg13 : memref<!tpu.dma_semaphore, #tpu.memory_space<semaphore_mem>>)
      tpu.wait_dma2 semaphore(%arg13 : memref<!tpu.dma_semaphore, #tpu.memory_space<semaphore_mem>>) src(%arg11 : memref<96xi32, #tpu.memory_space<vmem>>) dst(%arg4 : memref<96xi32, #tpu.memory_space<hbm>>)
      tpu.enqueue_dma source(%arg12 : memref<96xi32, #tpu.memory_space<vmem>>) target(%arg5 : memref<96xi32, #tpu.memory_space<hbm>>) target_semaphore(%arg13 : memref<!tpu.dma_semaphore, #tpu.memory_space<semaphore_mem>>)
      tpu.wait_dma2 semaphore(%arg13 : memref<!tpu.dma_semaphore, #tpu.memory_space<semaphore_mem>>) src(%arg12 : memref<96xi32, #tpu.memory_space<vmem>>) dst(%arg5 : memref<96xi32, #tpu.memory_space<hbm>>)
    } else {
    }
    return
  }
}

#map = affine_map<(d0, d1) -> (0, 0)>
#map1 = affine_map<(d0, d1) -> (0)>
module attributes {stable_mosaic.version = 14 : i64} {
  func.func @k(%arg0: i32, %arg1: i32, %arg2: memref<6144x768xf32, #tpu.memory_space<hbm>>, %arg3: memref<2048xi32, #tpu.memory_space<hbm>>, %arg4: memref<2048x768xf32, #tpu.memory_space<hbm>>, %arg5: memref<64xi32, #tpu.memory_space<vmem>>, %arg6: memref<64x768xf32, #tpu.memory_space<vmem>>, %arg7: memref<!tpu.dma_semaphore, #tpu.memory_space<semaphore_mem>>) attributes {dimension_semantics = [#tpu.dimension_semantics<core_parallel>, #tpu.dimension_semantics<subcore_parallel>], iteration_bounds = array<i64: 2, 16>, scalar_prefetch = 0 : i64, scratch_operands = 3 : i64, tpu.core_type = #tpu.core_type<sc_vector_subcore>, window_params = [{transform_indices = #map}, {transform_indices = #map1}, {transform_indices = #map}]} {
    %mul3A = arith.constant 2 : i32
    %mul3A_0 = arith.muli %arg1, %mul3A : i32
    %add3A = arith.addi %mul3A_0, %arg0 : i32
    %mul3A_1 = arith.constant 64 : i32
    %mul3A_2 = arith.muli %add3A, %mul3A_1 : i32
    "tpu.region"() ({
      %run_scoped3A = tpu.sem_alloc : memref<!tpu.dma_semaphore, #tpu.memory_space<semaphore_mem>>
      %dma_start3A_7 = tpu.memref_slice %arg3[%mul3A_2] : memref<2048xi32, #tpu.memory_space<hbm>> -> memref<64xi32, #tpu.memory_space<hbm>>
      %dma_start3A_8 = tpu.memref_slice %arg3[%mul3A_2] : memref<2048xi32, #tpu.memory_space<hbm>> -> memref<64xi32, #tpu.memory_space<hbm>>
      tpu.enqueue_dma source(%dma_start3A_8 : memref<64xi32, #tpu.memory_space<hbm>>) target(%arg5 : memref<64xi32, #tpu.memory_space<vmem>>) target_semaphore(%run_scoped3A : memref<!tpu.dma_semaphore, #tpu.memory_space<semaphore_mem>>)
      %dma_wait3A_9 = tpu.memref_slice %arg3[%mul3A_2] : memref<2048xi32, #tpu.memory_space<hbm>> -> memref<64xi32, #tpu.memory_space<hbm>>
      %dma_wait3A_10 = tpu.memref_slice %arg3[%mul3A_2] : memref<2048xi32, #tpu.memory_space<hbm>> -> memref<64xi32, #tpu.memory_space<hbm>>
      tpu.wait_dma2 semaphore(%run_scoped3A : memref<!tpu.dma_semaphore, #tpu.memory_space<semaphore_mem>>) src(%dma_wait3A_10 : memref<64xi32, #tpu.memory_space<hbm>>) dst(%arg5 : memref<64xi32, #tpu.memory_space<vmem>>)
      tpu.yield
    }) : () -> ()
    %dma_start3A = arith.constant 0 : i32
    %dma_start3A_3 = arith.constant 0 : i32
    %dma_start3A_4 = tpu.memref_slice %arg2[%dma_start3A, %dma_start3A_3] : memref<6144x768xf32, #tpu.memory_space<hbm>> -> memref<6144x768xf32, #tpu.memory_space<hbm>>
    tpu.enqueue_indirect_dma source(%dma_start3A_4 : memref<6144x768xf32, #tpu.memory_space<hbm>>) target(%arg6 : memref<64x768xf32, #tpu.memory_space<vmem>>) offsets(%arg5 : memref<64xi32, #tpu.memory_space<vmem>>) semaphore(%arg7 : memref<!tpu.dma_semaphore, #tpu.memory_space<semaphore_mem>>)
    %dma_wait3A = arith.constant 0 : i32
    %dma_wait3A_5 = arith.constant 0 : i32
    %dma_wait3A_6 = tpu.memref_slice %arg2[%dma_wait3A, %dma_wait3A_5] : memref<6144x768xf32, #tpu.memory_space<hbm>> -> memref<6144x768xf32, #tpu.memory_space<hbm>>
    tpu.wait_indirect_dma semaphore(%arg7 : memref<!tpu.dma_semaphore, #tpu.memory_space<semaphore_mem>>) src(%dma_wait3A_6 : memref<6144x768xf32, #tpu.memory_space<hbm>>) dst(%arg6 : memref<64x768xf32, #tpu.memory_space<vmem>>)
    "tpu.region"() ({
      %run_scoped3A = tpu.sem_alloc : memref<!tpu.dma_semaphore, #tpu.memory_space<semaphore_mem>>
      %dma_start3A_7 = arith.constant 0 : i32
      %dma_start3A_8 = tpu.memref_slice %arg4[%mul3A_2, %dma_start3A_7] : memref<2048x768xf32, #tpu.memory_space<hbm>> -> memref<64x768xf32, #tpu.memory_space<hbm>>
      %dma_start3A_9 = arith.constant 0 : i32
      %dma_start3A_10 = tpu.memref_slice %arg4[%mul3A_2, %dma_start3A_9] : memref<2048x768xf32, #tpu.memory_space<hbm>> -> memref<64x768xf32, #tpu.memory_space<hbm>>
      tpu.enqueue_dma source(%arg6 : memref<64x768xf32, #tpu.memory_space<vmem>>) target(%dma_start3A_10 : memref<64x768xf32, #tpu.memory_space<hbm>>) target_semaphore(%run_scoped3A : memref<!tpu.dma_semaphore, #tpu.memory_space<semaphore_mem>>)
      %dma_wait3A_11 = arith.constant 0 : i32
      %dma_wait3A_12 = tpu.memref_slice %arg4[%mul3A_2, %dma_wait3A_11] : memref<2048x768xf32, #tpu.memory_space<hbm>> -> memref<64x768xf32, #tpu.memory_space<hbm>>
      %dma_wait3A_13 = arith.constant 0 : i32
      %dma_wait3A_14 = tpu.memref_slice %arg4[%mul3A_2, %dma_wait3A_13] : memref<2048x768xf32, #tpu.memory_space<hbm>> -> memref<64x768xf32, #tpu.memory_space<hbm>>
      tpu.wait_dma2 semaphore(%run_scoped3A : memref<!tpu.dma_semaphore, #tpu.memory_space<semaphore_mem>>) src(%arg6 : memref<64x768xf32, #tpu.memory_space<vmem>>) dst(%dma_wait3A_14 : memref<64x768xf32, #tpu.memory_space<hbm>>)
      tpu.yield
    }) : () -> ()
    return
  }
}

module attributes {stable_mosaic.version = 14 : i64} {
  func.func @_ffn_body(%arg0: i32, %arg1: memref<96xi32, #tpu.memory_space<smem>>, %arg2: memref<96xi32, #tpu.memory_space<smem>>, %arg3: memref<64x768xf32, #tpu.memory_space<vmem>>, %arg4: memref<1x1024x768xf32, #tpu.memory_space<vmem>>, %arg5: memref<1x1x1024xf32, #tpu.memory_space<vmem>>, %arg6: memref<1x768x1024xf32, #tpu.memory_space<vmem>>, %arg7: memref<1x1x768xf32, #tpu.memory_space<vmem>>, %arg8: memref<64x768xf32, #tpu.memory_space<vmem>>) attributes {dimension_semantics = [#tpu.dimension_semantics<arbitrary>], iteration_bounds = array<i64: 96>, scalar_prefetch = 2 : i64, scratch_operands = 0 : i64, tpu.core_type = #tpu.core_type<tc>, window_params = [{transform_indices = @transform_0, window_bounds = array<i64: 64, 768>}, {transform_indices = @transform_1, window_bounds = array<i64: 1, 1024, 768>}, {transform_indices = @transform_2, window_bounds = array<i64: 1, 1, 1024>}, {transform_indices = @transform_3, window_bounds = array<i64: 1, 768, 1024>}, {transform_indices = @transform_4, window_bounds = array<i64: 1, 1, 768>}, {transform_indices = @transform_5, window_bounds = array<i64: 64, 768>}]} {
    %get3A = arith.index_cast %arg0 : i32 to index
    %get3A_0 = memref.load %arg2[%get3A] : memref<96xi32, #tpu.memory_space<smem>>
    %ne3A = arith.constant 0 : i32
    %ne3A_1 = arith.cmpi ne, %get3A_0, %ne3A : i32
    %convert_element_type3A = arith.extui %ne3A_1 : i1 to i32
    %cond3A = arith.constant 0 : i32
    %cond3A_2 = arith.cmpi ne, %convert_element_type3A, %cond3A : i32
    scf.if %cond3A_2 {
      %get3A_3 = arith.constant 0 : index
      %get3A_4 = arith.constant 0 : index
      %get3A_5 = vector.load %arg3[%get3A_3, %get3A_4] : memref<64x768xf32, #tpu.memory_space<vmem>>, vector<64x768xf32>
      %get3A_6 = arith.constant 0 : index
      %get3A_7 = arith.constant 0 : index
      %get3A_8 = arith.constant 0 : index
      %get3A_9 = vector.load %arg4[%get3A_6, %get3A_7, %get3A_8] : memref<1x1024x768xf32, #tpu.memory_space<vmem>>, vector<1x1024x768xf32>
      %get3A_10 = vector.shape_cast %get3A_9 : vector<1x1024x768xf32> to vector<1024x768xf32>
      %dot_general3A = arith.constant dense<0.000000e+00> : vector<64x1024xf32>
      %dot_general3A_11 = tpu.matmul %get3A_5, %get3A_10, %dot_general3A {dimension_numbers = #tpu.dot_dimension_numbers<[1], [1], [0], [0], [0, 0, 1, 0], [], []>, transpose_lhs_hint = false} : vector<64x768xf32>, vector<1024x768xf32>, vector<64x1024xf32> -> vector<64x1024xf32>
      %get3A_12 = arith.constant 0 : index
      %get3A_13 = arith.constant 0 : index
      %get3A_14 = arith.constant 0 : index
      %get3A_15 = vector.load %arg5[%get3A_12, %get3A_13, %get3A_14] : memref<1x1x1024xf32, #tpu.memory_space<vmem>>, vector<1x1x1024xf32>
      %get3A_16 = vector.shape_cast %get3A_15 : vector<1x1x1024xf32> to vector<1x1024xf32>
      %add3A = vector.broadcast %get3A_16 : vector<1x1024xf32> to vector<64x1024xf32>
      %add3A_17 = arith.addf %dot_general3A_11, %add3A : vector<64x1024xf32>
      %logistic3A = arith.negf %add3A_17 : vector<64x1024xf32>
      %logistic3A_18 = math.exp %logistic3A : vector<64x1024xf32>
      %logistic3A_19 = arith.constant 1.000000e+00 : f32
      %logistic3A_20 = vector.broadcast %logistic3A_19 : f32 to vector<64x1024xf32>
      %logistic3A_21 = arith.addf %logistic3A_20, %logistic3A_18 : vector<64x1024xf32>
      %logistic3A_22 = arith.divf %logistic3A_20, %logistic3A_21 : vector<64x1024xf32>
      %mul3A = arith.mulf %add3A_17, %logistic3A_22 : vector<64x1024xf32>
      %get3A_23 = arith.constant 0 : index
      %get3A_24 = arith.constant 0 : index
      %get3A_25 = arith.constant 0 : index
      %get3A_26 = vector.load %arg6[%get3A_23, %get3A_24, %get3A_25] : memref<1x768x1024xf32, #tpu.memory_space<vmem>>, vector<1x768x1024xf32>
      %get3A_27 = vector.shape_cast %get3A_26 : vector<1x768x1024xf32> to vector<768x1024xf32>
      %dot_general3A_28 = arith.constant dense<0.000000e+00> : vector<64x768xf32>
      %dot_general3A_29 = tpu.matmul %mul3A, %get3A_27, %dot_general3A_28 {dimension_numbers = #tpu.dot_dimension_numbers<[1], [1], [0], [0], [0, 0, 1, 0], [], []>, transpose_lhs_hint = false} : vector<64x1024xf32>, vector<768x1024xf32>, vector<64x768xf32> -> vector<64x768xf32>
      %get3A_30 = arith.constant 0 : index
      %get3A_31 = arith.constant 0 : index
      %get3A_32 = arith.constant 0 : index
      %get3A_33 = vector.load %arg7[%get3A_30, %get3A_31, %get3A_32] : memref<1x1x768xf32, #tpu.memory_space<vmem>>, vector<1x1x768xf32>
      %get3A_34 = vector.shape_cast %get3A_33 : vector<1x1x768xf32> to vector<1x768xf32>
      %add3A_35 = vector.broadcast %get3A_34 : vector<1x768xf32> to vector<64x768xf32>
      %add3A_36 = arith.addf %dot_general3A_29, %add3A_35 : vector<64x768xf32>
      %swap3A = arith.constant 0 : index
      %swap3A_37 = arith.constant 0 : index
      %swap3A_38 = vector.load %arg8[%swap3A, %swap3A_37] : memref<64x768xf32, #tpu.memory_space<vmem>>, vector<64x768xf32>
      tpu.vector_store %arg8[%swap3A, %swap3A_37], %add3A_36 {strides = array<i32>} : memref<64x768xf32, #tpu.memory_space<vmem>>, vector<64x768xf32>,
    } else {
    }
    return
  }
  func.func @transform_0(%arg0: i32, %arg1: memref<96xi32, #tpu.memory_space<smem>>, %arg2: memref<96xi32, #tpu.memory_space<smem>>) -> (i32, i32) {
    %c0_i32 = arith.constant 0 : i32
    %c0_i32_0 = arith.constant 0 : i32
    return %arg0, %c0_i32 : i32, i32
  }
  func.func @transform_1(%arg0: i32, %arg1: memref<96xi32, #tpu.memory_space<smem>>, %arg2: memref<96xi32, #tpu.memory_space<smem>>) -> (i32, i32, i32) {
    %get3A = arith.index_cast %arg0 : i32 to index
    %get3A_0 = memref.load %arg1[%get3A] : memref<96xi32, #tpu.memory_space<smem>>
    %c0_i32 = arith.constant 0 : i32
    %c0_i32_1 = arith.constant 0 : i32
    %c0_i32_2 = arith.constant 0 : i32
    return %get3A_0, %c0_i32, %c0_i32_1 : i32, i32, i32
  }
  func.func @transform_2(%arg0: i32, %arg1: memref<96xi32, #tpu.memory_space<smem>>, %arg2: memref<96xi32, #tpu.memory_space<smem>>) -> (i32, i32, i32) {
    %get3A = arith.index_cast %arg0 : i32 to index
    %get3A_0 = memref.load %arg1[%get3A] : memref<96xi32, #tpu.memory_space<smem>>
    %c0_i32 = arith.constant 0 : i32
    %c0_i32_1 = arith.constant 0 : i32
    %c0_i32_2 = arith.constant 0 : i32
    return %get3A_0, %c0_i32, %c0_i32_1 : i32, i32, i32
  }
  func.func @transform_3(%arg0: i32, %arg1: memref<96xi32, #tpu.memory_space<smem>>, %arg2: memref<96xi32, #tpu.memory_space<smem>>) -> (i32, i32, i32) {
    %get3A = arith.index_cast %arg0 : i32 to index
    %get3A_0 = memref.load %arg1[%get3A] : memref<96xi32, #tpu.memory_space<smem>>
    %c0_i32 = arith.constant 0 : i32
    %c0_i32_1 = arith.constant 0 : i32
    %c0_i32_2 = arith.constant 0 : i32
    return %get3A_0, %c0_i32, %c0_i32_1 : i32, i32, i32
  }
  func.func @transform_4(%arg0: i32, %arg1: memref<96xi32, #tpu.memory_space<smem>>, %arg2: memref<96xi32, #tpu.memory_space<smem>>) -> (i32, i32, i32) {
    %get3A = arith.index_cast %arg0 : i32 to index
    %get3A_0 = memref.load %arg1[%get3A] : memref<96xi32, #tpu.memory_space<smem>>
    %c0_i32 = arith.constant 0 : i32
    %c0_i32_1 = arith.constant 0 : i32
    %c0_i32_2 = arith.constant 0 : i32
    return %get3A_0, %c0_i32, %c0_i32_1 : i32, i32, i32
  }
  func.func @transform_5(%arg0: i32, %arg1: memref<96xi32, #tpu.memory_space<smem>>, %arg2: memref<96xi32, #tpu.memory_space<smem>>) -> (i32, i32) {
    %c0_i32 = arith.constant 0 : i32
    %c0_i32_0 = arith.constant 0 : i32
    return %arg0, %c0_i32 : i32, i32
  }
}

</mosaic_0001>

<sc_bundles>
// kernel: kernel.12.cloned.1.call-start
scs
__scs_entry_jumppad:
0x0: {  	(pc) =	sbr.rel $0x88, $3  }
0x1: {  	(tag) =	ssettag $0x0;
	lr =	simm.s32 $0x1  }
0x2: {  	[smem:$0x3F9B] =	sst lr;
	_ =	strace $0xD0000000  }
0x3: {  	_ = 	snop  }
0x4: {  	_ = 	snop  }
0x5: {  	_ = 	snop  }
0x6: {  	_ = 	snop  }
0x7: {  	_ = 	snop  }
__scs_overlays_trampoline_lowered:
0x8: {  	[smem:$0x3FAA] =	sst s0  }
0x9: {  	[smem:$0x3FAB] =	sst s1  }
0xa: {  	[smem:$0x3FAC] =	sst s2  }
0xb: {  	[smem:$0x3FAD] =	sst s3  }
0xc: {  	[smem:$0x3FAE] =	sst s4  }
0xd: {  	[smem:$0x3FAF] =	sst s5  }
0xe: {  	[smem:$0x3FB0] =	sst s6  }
0xf: {  	[smem:$0x3FB1] =	sst s7  }
0x10: {  	[smem:$0x3FB2] =	sst s8  }
0x11: {  	[smem:$0x3FB3] =	sst s9;
	s0 =	simm.s32 @!p0 $0x0  }
0x12: {  	s1 =	sld [smem:$0x3F99];
	s0 =	simm.s32 @p0 $0x1  }
0x13: {  	[smem:$0x3FB4] =	sst s0;
	s0 =	simm.s32 @!p1 $0x0  }
0x14: {  	s2 =	sld [smem:$0x3F98];
	s0 =	simm.s32 @p1 $0x1  }
0x15: {  	[smem:$0x3FB5] =	sst s0;
	s0 =	simm.s32 @!p2 $0x0  }
0x16: {  	s3 =	sld [smem:$0x3FDB];
	s0 =	simm.s32 @p2 $0x1  }
0x17: {  	s4 =	simm.s32 $0x1BF5;
	[smem:$0x3FB7] =	sst s0  }
0x18: {  	s0 =	sld [smem:$0x3F9A];
	_ =	swait.ge [sflag:s4], $0x0  }
0x19: {  	s7 =	sld [smem:$0x3F9B]  }
0x1a: {  	s8 =	sadd.s32 $0xFFFFE003, lr  }
0x1b: {  	s9 =	sadd.s32 $0xFFFFFEF7, lr;
	s5 =	simm.s32 $0xFFFFFFFF;
	p2 =	slt.u32 s8, $0xFFFFF086  }
0x1c: {  	p1 =	slt.u32 s9, $0xF7A;
	s5 =	simm.s32 @!p2 $0x0  }
0x1d: {  	s5 =	simm.s32 @p1 $0x1;
	p0 =	seq.s32 s7, s2  }
0x1e: {  	s7 =	smul.u32 @!p0 $0xF7A, s2;
	p2 =	seq.s32 @!p0 s5, $0x0  }
0x1f: {  	s9 =	smul.u32 $0xF7A, s1;
	s8 =	simm.s32 @!p0 $0x1BF5;
	p2 =	por !p2, p0  }
0x20: {  	[sflag:s8] =	ssyncset.s32 @!p0 $0xFFFFF086;
	s6 =	sadd.s32 @!p0 s3, s7;
	s7 =	simm.s32 @!p0 $0x108  }
0x21: {  	s3 =	sadd.s32 s3, s9;
	s6 =	sadd.s32 @!p0 $0x88, s6;
	s7 =	simm.s32 @p2 $0x1082  }
0x22: {  	[simem:s7], [sflag:s8] =	dma.local @!p0 [hbm:s6], $0xF7A  }
0x23: {  	s9 =	sor.u32 $0xD0000000, s2;
	s6 =	simm.s32 $0x108;
	_ =	swait.ge @!p0 [sflag:s8], $0x0  }
0x24: {  	s3 =	sadd.s32 $0x88, s3;
	s6 =	simm.s32 @!p1 $0x1082;
	[sflag:s4] =	ssyncset.s32 $0xFFFFF086  }
0x25: {  	[simem:s6], [sflag:s4] =	dma.local [hbm:s3], $0xF7A  }
0x26: {  	[smem:$0x3F9B] =	sst s1;
	(tag) =	ssettag s2;
	_ =	strace s9  }
0x27: {  	s1 =	sld [smem:$0x3FAB]  }
0x28: {  	s2 =	sld [smem:$0x3FAC]  }
0x29: {  	s4 =	sld [smem:$0x3FAE]  }
0x2a: {  	p0 =	seq.s32 s5, $0x0;
	s5 =	sld [smem:$0x3FAF]  }
0x2b: {  	s6 =	sld [smem:$0x3FB0]  }
0x2c: {  	s7 =	sld [smem:$0x3FB1]  }
0x2d: {  	s3 =	simm.s32 $0x108;
	s8 =	sld [smem:$0x3FB2]  }
0x2e: {  	s3 =	simm.s32 @!p0 $0x1082;
	s9 =	sld [smem:$0x3FB3]  }
0x2f: {  	lr =	sadd.s32 s0, s3;
	s0 =	sld [smem:$0x3FAA]  }
0x30: {  	s3 =	sld [smem:$0x3FAD]  }
0x31: {  	[smem:$0x3FB6] =	sst s10  }
0x32: {  	s10 =	sld [smem:$0x3FB4];
	_ =	sdelay $0x3  }
0x33: {  	p0 =	seq.s32 s10, $0x1;
	s10 =	sld [smem:$0x3FB6];
	_ =	sdelay $0x3  }
0x34: {  	[smem:$0x3FB6] =	sst s10  }
0x35: {  	s10 =	sld [smem:$0x3FB5];
	_ =	sdelay $0x3  }
0x36: {  	p1 =	seq.s32 s10, $0x1;
	s10 =	sld [smem:$0x3FB6];
	_ =	sdelay $0x3  }
0x37: {  	[smem:$0x3FB6] =	sst s10  }
0x38: {  	s10 =	sld [smem:$0x3FB7]  }
0x39: {  	_ = 	snop;
	(pc) =	sbr.ind lr, $3  }
0x3a: {  	_ = 	snop  }
0x3b: {  	_ = 	snop  }
0x3c: {  	p2 =	seq.s32 s10, $0x1;
	s10 =	sld [smem:$0x3FB6]  }
0x3d: {  	_ =	shalt  }
0x3e: {  	_ =	shalt  }
0x3f: {  	_ =	shalt  }
0x40: {  	_ =	shalt  }
0x41: {  	_ =	shalt  }
0x42: {  	_ =	shalt  }
0x43: {  	_ =	shalt  }
0x44: {  	_ =	shalt  }
0x45: {  	_ =	shalt  }
0x46: {  	_ =	shalt  }
0x47: {  	_ =	shalt  }
0x48: {  	_ =	shalt  }
0x49: {  	_ =	shalt  }
0x4a: {  	_ =	shalt  }
0x4b: {  	_ =	shalt  }
0x4c: {  	_ =	shalt  }
0x4d: {  	_ =	shalt  }
0x4e: {  	_ =	shalt  }
0x4f: {  	_ =	shalt  }
0x50: {  	_ =	shalt  }
0x51: {  	_ =	shalt  }
0x52: {  	_ =	shalt  }
0x53: {  	_ =	shalt  }
0x54: {  	_ =	shalt  }
0x55: {  	_ =	shalt  }
0x56: {  	_ =	shalt  }
0x57: {  	_ =	shalt  }
0x58: {  	_ =	shalt  }
0x59: {  	_ =	shalt  }
0x5a: {  	_ =	shalt  }
0x5b: {  	_ =	shalt  }
0x5c: {  	_ =	shalt  }
0x5d: {  	_ =	shalt  }
0x5e: {  	_ =	shalt  }
0x5f: {  	_ =	shalt  }
0x60: {  	_ =	shalt  }
0x61: {  	_ =	shalt  }
0x62: {  	_ =	shalt  }
0x63: {  	_ =	shalt  }
0x64: {  	_ =	shalt  }
0x65: {  	_ =	shalt  }
0x66: {  	_ =	shalt  }
0x67: {  	_ =	shalt  }
0x68: {  	_ =	shalt  }
0x69: {  	_ =	shalt  }
0x6a: {  	_ =	shalt  }
0x6b: {  	_ =	shalt  }
0x6c: {  	_ =	shalt  }
0x6d: {  	_ =	shalt  }
0x6e: {  	_ =	shalt  }
0x6f: {  	_ =	shalt  }
0x70: {  	_ =	shalt  }
0x71: {  	_ =	shalt  }
0x72: {  	_ =	shalt  }
0x73: {  	_ =	shalt  }
0x74: {  	_ =	shalt  }
0x75: {  	_ =	shalt  }
0x76: {  	_ =	shalt  }
0x77: {  	_ =	shalt  }
0x78: {  	_ =	shalt  }
0x79: {  	_ =	shalt  }
0x7a: {  	_ =	shalt  }
0x7b: {  	_ =	shalt  }
0x7c: {  	_ =	shalt  }
0x7d: {  	_ =	shalt  }
0x7e: {  	_ =	shalt  }
0x7f: {  	_ =	shalt  }
0x80: {  	_ =	shalt  }
0x81: {  	_ =	shalt  }
0x82: {  	_ =	shalt  }
0x83: {  	_ =	shalt  }
0x84: {  	_ =	shalt  }
0x85: {  	_ =	shalt  }
0x86: {  	_ =	shalt  }
0x87: {  	_ =	shalt  }
.Lfunc_end0:
.L_simem_size_0:
called_computation.2_lowered:
.L_overlay_start_0:
0x88: {  	s2 =	sld [smem:$0x3FD9]  }
0x89: {  	s3 =	sld [smem:$0x3FFE];
	_ =	sdelay $0x1  }
0x8a: {  	s1 =	srdreg.scid  }
0x8b: {  	s0 =	sand.u32 $0x1, s1  }
0x8c: {  	s17 =	sshll.u32 s0, $0xA;
	s2 =	sadd.s32 s3, s2  }
0x8d: {  	s2 =	sadd.s32 s2, s17  }
0x8e: {  	[smem:$0x3FC2] =	sst s2  }
0x8f: {  	_ = 	snop  }
0x90: {  	s2 =	sld [smem:$0x3FD0];
	(tm) =	ssettm $0x1  }
0x91: {  	s18 =	sld [smem:$0x3FFB];
	_ =	sdelay $0x3  }
0x92: {  	_ =	strace s18  }
0x93: {  	s3 =	sld [smem:$0x3FFC];
	_ =	sdelay $0x3  }
0x94: {  	_ =	strace s3  }
0x95: {  	s3 =	sld [smem:$0x3FFD];
	_ =	sdelay $0x3  }
0x96: {  	_ =	strace s3  }
0x97: {  	_ =	strace $0x8FFFFFFF  }
0x98: {  	s19 =	sld [smem:$0x3FDB];
	_ =	sdelay $0x1  }
0x99: {  	s4 =	simm.s32 $_scs_section_size  }
0x9a: {  	s5 =	simm.s32 $_size__tile_overlayer_lowered;
	s6 =	simm.s32 $_tile_overlayer_lowered  }
0x9b: {  	s22 =	simm.s32 $0x1BFF;
	s21 =	sshll.u32 s6, $0x1;
	s3 =	sadd.s32 s4, s19  }
0x9c: {  	s7 =	simm.s32 $0x0;
	s20 =	sshll.u32 s5, $0x1;
	s5 =	sadd.s32 s21, s3  }
0x9d: {  	[timem:s7], [sflag:s22] =	dma.local [hbm:s5], s20  }
0x9e: {  	_ =	swait.ge [sflag:s22], s20  }
0x9f: {  	s4 =	ssub.s32 $0x0, s20;
	[sflag:s22] =	ssyncset.done $0x0  }
0xa0: {  	[sflag:s22] =	ssyncadd.s32 s4;
	_ =	sdelay $0x1  }
0xa1: {  	s23 =	simm.s32 $0x1B8B  }
0xa2: {  	_ =	swait.ge [sflag:s23], $0x1  }
0xa3: {  	[sflag:s23] =	ssyncset.done $0x0  }
0xa4: {  	s25 =	simm.s32 $0x1B8E;
	s24 =	sld [smem:$0x3FFE];
	[sflag:s23] =	ssyncadd.s32 $0xFFFFFFFF  }
0xa5: {  	s26 =	simm.s32 $execute0_lowered;
	[smem:$0x3FD2] =	sst s25  }
0xa6: {  	s5 =	sshll.u32 s26, $0x1;
	_ =	strace $0x8000004C;
	[dreg:$0x1] =	wrdreg $0xFFFFFFFF  }
0xa7: {  	s28 =	simm.s32 $_size_execute0_lowered;
	s3 =	sadd.s32 s3, s5;
	[dreg:$0x0] =	wrdreg $0x0  }
0xa8: {  	s5 =	sshll.u32 s28, $0x1;
	[dreg:$0x2] =	wrdreg s3  }
0xa9: {  	[dreg:$0x3] =	wrdreg s5  }
0xaa: {  	[dreg:$0x4] =	wrdreg $0xC0  }
0xab: {  	_ =	task [dreg:s7], $0x5FFFF  }
0xac: {  	[dreg:$0x1] =	wrdreg $0xFFFFFFFF  }
0xad: {  	[dreg:$0x0] =	wrdreg $0x60  }
0xae: {  	[dreg:$0x2] =	wrdreg s24  }
0xaf: {  	[dreg:$0x3] =	wrdreg s2  }
0xb0: {  	[dreg:$0x4] =	wrdreg $0x9  }
0xb1: {  	_ =	task.clear_ibuf [dreg:s7], $0x5FFFF;
	_ =	strace $0x9000004C  }
0xb2: {  	s29 =	simm.s32 $0x9;
	_ =	strace $0x8000004E  }
0xb3: {  	_ =	swait.ge [sflag:s29], $0x1  }
0xb4: {  	[sflag:s29] =	ssyncadd.s32 $0xFFFFFFFF  }
0xb5: {  	_ =	strace $0x9000004E  }
0xb6: {  	_ =	sfence  }
0xb7: {  	s30 =	sld [smem:$0x0];
	_ =	sdelay $0x2  }
0xb8: {  	s31 =	sshll.u32 s1, $0xD;
	s1 =	sshrl.u32 s1, $0x2  }
0xb9: {  	s3 =	sand.u32 $0x4000, s31;
	s1 =	sadd.s32 s1, s30  }
0xba: {  	s0 =	sor.u32 s3, s0;
	s1 =	sshll.u32 s1, $0x11  }
0xbb: {  	s0 =	sor.u32 s1, s0  }
0xbc: {  	s0 =	sadd.s32 $0x8F2B, s0  }
0xbd: {  	[sflag:s0] =	ssyncadd.remote.s32 $0x1  }
0xbe: {  	_ =	sfence.sel $0xFFFF  }
0xbf: {  	[dreg:$0x0] =	wrdreg $0xFFFFFFFF;
	(pc) =	sbr.abs _section_cstart, $3  }
0xc0: {  	[dreg:$0x1] =	wrdreg $0xFFFFFFFF  }
0xc1: {  	_ =	task.clear_ibuf [dreg:s7], $0x2FFFF;
	_ =	strace $0x9FFFFFFF  }
0xc2: {  	(tm) =	ssettm $0x7FFFFFFF  }
0xc3: {  	_ =	shalt  }
tec
execute0_lowered:
.L_overlay_start_1:
0x0: {  	(tag) =	ssettag $0x1  }
0x1: {  	s0 =	rddreg [dreg:$0x0]  }
0x2: {  	s5 =	rddreg [dreg:$0x1];
	s3 =	srdreg.scid  }
0x3: {  	s2 =	simm.s32 $0x0;
	s1 =	stileid.u32;
	s26 =	simm.s32 $0x880  }
0x4: {  	s10 =	simm.s32 $0x1880;
	s11 =	simm.s32 $0x2080;
	s12 =	simm.s32 $0x2880  }
0x5: {  	s13 =	simm.s32 $0x3080;
	s14 =	simm.s32 $0x3880;
	s15 =	simm.s32 $0x4080  }
0x6: {  	s16 =	simm.s32 $0x4880;
	s17 =	simm.s32 $0x5080;
	s18 =	simm.s32 $0x5880  }
0x7: {  	s19 =	simm.s32 $0x6080;
	s20 =	simm.s32 $0x6880;
	s21 =	simm.s32 $0x7080  }
0x8: {  	s22 =	simm.s32 $0x7880;
	s28 =	simm.s32 $0xA080;
	s29 =	simm.s32 $0xA880  }
0x9: {  	s30 =	simm.s32 $0xB080;
	s31 =	simm.s32 $0xB880;
	s3 =	sand.u32 $0x1, s3  }
0xa: {  	[smem:$0x7FF] =	sst s2;
	s4 =	sshll.u32 s1, $0x4;
	s6 =	sshll.u32 s3, $0x3  }
0xb: {  	_ =	strace $0x8000004D;
	s23 =	ssub.s32 $0x2, s3;
	s3 =	sadd.s32 $0x800, s0  }
0xc: {  	[dreg:$0x5] =	wrdreg s26;
	s26 =	simm.s32 $0x9880;
	s4 =	sor.u32 s6, s4  }
0xd: {  	s8 =	sshrl.u32 s23, $0x1;
	s7 =	sadd.s32 s4, s0;
	s9 =	smul.u32 $0x300, s4  }
0xe: {  	s6 =	ssub.s32 s23, s8;
	s4 =	sadd.s32 $0x900, s0;
	s8 =	simm.s32 $0x80  }
0xf: {  	s23 =	simm.s32 $0x8080;
	s24 =	sadd.s32 $0x600, s7;
	s6 =	smax.u32 s6, $0x1  }
0x10: {  	v2 =	vlaneseq.u32;
	s7 =	simm.s32 $0x2;
	[dreg:$0x3] =	wrdreg s24;
	s25 =	sadd.s32 s5, s9  }
0x11: {  	vm0 =	vmmov $0xffff;
	v1 =	vshrl.u32 v2, $0x3;
	s5 =	sadd.s32 $0xA00, s0;
	s9 =	simm.s32 $0x1080;
	s24 =	simm.s32 $0x8880  }
0x12: {  	v0 =	vand.u32 $0x7, v2;
	v2 =	vor.u32 $0x8, v2;
	v1 =	vmul.u32 $0x8, v1;
	s0 =	simm.s32 $0x1;
	[dreg:$0x4] =	wrdreg s25;
	s25 =	simm.s32 $0x9080  }
.LBB2_1:
0x13: {  	s1 =	rddreg [dreg:$0x3]  }
0x14: {  	[tilespmem:s2], [sflag:$0x2] =	stream.linear.gather [hbm4b:s1+s2], $0x40, $0x38;
	[tilespmem:$0xC080] =	vst v63  }
0x15: {  	_ =	swait.ge [sflag:s7], $0x40  }
0x16: {  	[sflag:s7] =	ssyncset.done $0x0  }
0x17: {  	[sflag:s7] =	ssyncadd.s32 $0xFFFFFFC0  }
0x18: {  	v3 =	vld [tilespmem:$0x0];
	_ =	sdelay $0x4  }
0x19: {  	v4 =	vshrl.u32 v3, $0x3  }
0x1a: {  	v4 =	vmul.u32 $0x30, v4  }
0x1b: {  	v3 =	vand.u32 $0x7, v3  }
0x1c: {  	v3 =	vor.u32 v3, v4  }
0x1d: {  	v4 =	vperm.xlane v3, v0;
	_ =	sdelay $0x1  }
0x1e: {  	v4 =	vadd.s32 v1, v4;
	_ =	sdelay $0x3  }
0x1f: {  	v3 =	vperm.xlane v3, v2  }
0x20: {  	[tilespmem:s8], [sflag:$0x1] =	stream.indirect_vreg.gather [hbm4b:s3+s2], $0x80, v4, vm0, $0xb8;
	[tilespmem:$0xC080] =	vst v63  }
0x21: {  	s1 =	rddreg [dreg:$0x5];
	v3 =	vadd.s32 v1, v3  }
0x22: {  	[tilespmem:s1], [sflag:$0x1] =	stream.indirect_vreg.gather [hbm4b:s4+s2], $0x80, v4, vm0, $0xb8;
	[tilespmem:$0xC080] =	vst v63  }
0x23: {  	_ = 	snop  }
0x24: {  	[tilespmem:s9], [sflag:$0x1] =	stream.indirect_vreg.gather [hbm4b:s5+s2], $0x80, v4, vm0, $0xb8;
	[tilespmem:$0xC080] =	vst v63  }
0x25: {  	_ = 	snop  }
0x26: {  	[tilespmem:s10], [sflag:$0x1] =	stream.indirect_vreg.gather [hbm4b:s3+s2], $0x80, v3, vm0, $0xb8;
	[tilespmem:$0xC080] =	vst v63  }
0x27: {  	_ = 	snop  }
0x28: {  	[tilespmem:s11], [sflag:$0x1] =	stream.indirect_vreg.gather [hbm4b:s4+s2], $0x80, v3, vm0, $0xb8;
	[tilespmem:$0xC080] =	vst v63  }
0x29: {  	_ = 	snop  }
0x2a: {  	[tilespmem:s12], [sflag:$0x1] =	stream.indirect_vreg.gather [hbm4b:s5+s2], $0x80, v3, vm0, $0xb8;
	[tilespmem:$0xC080] =	vst v63  }
0x2b: {  	v3 =	vld [tilespmem:$0x10];
	_ =	sdelay $0x4  }
0x2c: {  	v61 =	vshrl.u32 v3, $0x3  }
0x2d: {  	v4 =	vmul.u32 $0x30, v61  }
0x2e: {  	v3 =	vand.u32 $0x7, v3  }
0x2f: {  	v3 =	vor.u32 v3, v4  }
0x30: {  	v4 =	vperm.xlane v3, v0;
	_ =	sdelay $0x1  }
0x31: {  	v4 =	vadd.s32 v1, v4;
	_ =	sdelay $0x3  }
0x32: {  	v3 =	vperm.xlane v3, v2  }
0x33: {  	[tilespmem:s13], [sflag:$0x1] =	stream.indirect_vreg.gather [hbm4b:s3+s2], $0x80, v4, vm0, $0xb8;
	[tilespmem:$0xC080] =	vst v63  }
0x34: {  	v3 =	vadd.s32 v1, v3  }
0x35: {  	[tilespmem:s14], [sflag:$0x1] =	stream.indirect_vreg.gather [hbm4b:s4+s2], $0x80, v4, vm0, $0xb8;
	[tilespmem:$0xC080] =	vst v63  }
0x36: {  	_ = 	snop  }
0x37: {  	[tilespmem:s15], [sflag:$0x1] =	stream.indirect_vreg.gather [hbm4b:s5+s2], $0x80, v4, vm0, $0xb8;
	[tilespmem:$0xC080] =	vst v63  }
0x38: {  	_ = 	snop  }
0x39: {  	[tilespmem:s16], [sflag:$0x1] =	stream.indirect_vreg.gather [hbm4b:s3+s2], $0x80, v3, vm0, $0xb8;
	[tilespmem:$0xC080] =	vst v63  }
0x3a: {  	_ = 	snop  }
0x3b: {  	[tilespmem:s17], [sflag:$0x1] =	stream.indirect_vreg.gather [hbm4b:s4+s2], $0x80, v3, vm0, $0xb8;
	[tilespmem:$0xC080] =	vst v63  }
0x3c: {  	_ = 	snop  }
0x3d: {  	[tilespmem:s18], [sflag:$0x1] =	stream.indirect_vreg.gather [hbm4b:s5+s2], $0x80, v3, vm0, $0xb8;
	[tilespmem:$0xC080] =	vst v63  }
0x3e: {  	v3 =	vld [tilespmem:$0x20];
	_ =	sdelay $0x4  }
0x3f: {  	v62 =	vshrl.u32 v3, $0x3  }
0x40: {  	v4 =	vmul.u32 $0x30, v62  }
0x41: {  	v3 =	vand.u32 $0x7, v3  }
0x42: {  	v3 =	vor.u32 v3, v4  }
0x43: {  	v4 =	vperm.xlane v3, v0;
	_ =	sdelay $0x1  }
0x44: {  	v4 =	vadd.s32 v1, v4;
	_ =	sdelay $0x3  }
0x45: {  	v3 =	vperm.xlane v3, v2  }
0x46: {  	[tilespmem:s19], [sflag:$0x1] =	stream.indirect_vreg.gather [hbm4b:s3+s2], $0x80, v4, vm0, $0xb8;
	[tilespmem:$0xC080] =	vst v63  }
0x47: {  	v3 =	vadd.s32 v1, v3  }
0x48: {  	[tilespmem:s20], [sflag:$0x1] =	stream.indirect_vreg.gather [hbm4b:s4+s2], $0x80, v4, vm0, $0xb8;
	[tilespmem:$0xC080] =	vst v63  }
0x49: {  	_ = 	snop  }
0x4a: {  	[tilespmem:s21], [sflag:$0x1] =	stream.indirect_vreg.gather [hbm4b:s5+s2], $0x80, v4, vm0, $0xb8;
	[tilespmem:$0xC080] =	vst v63  }
0x4b: {  	_ = 	snop  }
0x4c: {  	[tilespmem:s22], [sflag:$0x1] =	stream.indirect_vreg.gather [hbm4b:s3+s2], $0x80, v3, vm0, $0xb8;
	[tilespmem:$0xC080] =	vst v63  }
0x4d: {  	_ = 	snop  }
0x4e: {  	[tilespmem:s23], [sflag:$0x1] =	stream.indirect_vreg.gather [hbm4b:s4+s2], $0x80, v3, vm0, $0xb8;
	[tilespmem:$0xC080] =	vst v63  }
0x4f: {  	_ = 	snop  }
0x50: {  	[tilespmem:s24], [sflag:$0x1] =	stream.indirect_vreg.gather [hbm4b:s5+s2], $0x80, v3, vm0, $0xb8;
	[tilespmem:$0xC080] =	vst v63  }
0x51: {  	v3 =	vld [tilespmem:$0x30];
	_ =	sdelay $0x4  }
0x52: {  	v63 =	vshrl.u32 v3, $0x3  }
0x53: {  	v4 =	vmul.u32 $0x30, v63  }
0x54: {  	v3 =	vand.u32 $0x7, v3  }
0x55: {  	v3 =	vor.u32 v3, v4  }
0x56: {  	v4 =	vperm.xlane v3, v0;
	_ =	sdelay $0x1  }
0x57: {  	v4 =	vadd.s32 v1, v4;
	_ =	sdelay $0x3  }
0x58: {  	v3 =	vperm.xlane v3, v2  }
0x59: {  	[tilespmem:s25], [sflag:$0x1] =	stream.indirect_vreg.gather [hbm4b:s3+s2], $0x80, v4, vm0, $0xb8;
	[tilespmem:$0xC080] =	vst v63  }
0x5a: {  	v3 =	vadd.s32 v1, v3  }
0x5b: {  	[tilespmem:s26], [sflag:$0x1] =	stream.indirect_vreg.gather [hbm4b:s4+s2], $0x80, v4, vm0, $0xb8;
	[tilespmem:$0xC080] =	vst v63  }
0x5c: {  	_ = 	snop  }
0x5d: {  	[tilespmem:s28], [sflag:$0x1] =	stream.indirect_vreg.gather [hbm4b:s5+s2], $0x80, v4, vm0, $0xb8;
	[tilespmem:$0xC080] =	vst v63  }
0x5e: {  	_ = 	snop  }
0x5f: {  	[tilespmem:s29], [sflag:$0x1] =	stream.indirect_vreg.gather [hbm4b:s3+s2], $0x80, v3, vm0, $0xb8;
	[tilespmem:$0xC080] =	vst v63  }
0x60: {  	_ = 	snop  }
0x61: {  	[tilespmem:s30], [sflag:$0x1] =	stream.indirect_vreg.gather [hbm4b:s4+s2], $0x80, v3, vm0, $0xb8;
	[tilespmem:$0xC080] =	vst v63  }
0x62: {  	_ = 	snop  }
0x63: {  	[tilespmem:s31], [sflag:$0x1] =	stream.indirect_vreg.gather [hbm4b:s5+s2], $0x80, v3, vm0, $0xb8;
	[tilespmem:$0xC080] =	vst v63  }
0x64: {  	_ =	swait.ge [sflag:s0], $0xC000  }
0x65: {  	p0 =	sne.s32 s6, $0x1;
	[sflag:s0] =	ssyncset.done $0x0  }
.Ltmp0:
0x66: {  	s1 =	rddreg [dreg:$0x4];
	[sflag:s0] =	ssyncadd.s32 $0xFFFF4000;
	(pc) =	sbr.rel @p0 .LBB2_1-.Ltmp0, $4  }
0x67: {  	[hbm4b:s1+s2] =	stream.linear.scatter [tilespmem:s8], [sflag:$0x2], $0xC000, $0x38;
	[tilespmem:$0xC080] =	vst v63  }
0x68: {  	_ =	swait.ge [sflag:s7], $0xC000  }
0x69: {  	[sflag:s7] =	ssyncset.done $0x0  }
0x6a: {  	s6 =	sadd.s32 $0xFFFFFFFF, s6;
	[sflag:s7] =	ssyncadd.s32 $0xFFFF4000  }
0x6b: {  	_ =	sfence.sel $0x180000  }
0x6c: {  	[bflag:$0x0] =	sbarrier.arrive $0xFFFF  }
0x6d: {  	_ =	strace $0x9000004D  }
0x6e: {  	s0 =	stileid.u32;
	[bflag:$0x2] =	sbarrier.arrive $0xFFFF  }
0x6f: {  	p0 =	sne.s32 s0, $0x0;
	s0 =	rddreg [dreg:$0x2]  }
0x70: {  	s0 =	sadd.s32 @!p0 $0x100000, s0  }
0x71: {  	[sflag:s0] =	ssyncadd.tile.s32 @!p0 $0x1;
	_ =	shalt  }
.Lfunc_end2:
_tile_overlayer_lowered:
.L_overlay_start_2:
0x72: {  	(tag) =	ssettag $0x2  }
0x73: {  	s0 =	rddreg [dreg:$0x0];
	s2 =	stileid.u32  }
0x74: {  	s1 =	rddreg [dreg:$0x1];
	p0 =	sne.s32 s2, $0x0  }
0x75: {  	s3 =	rddreg [dreg:$0x2];
	[bflag:$0x3] =	sbarrier.arrive $0xFFFF;
	s2 =	simm.s32 @!p0 $0x1C02  }
0x76: {  	[timem:s3], [sflag:s2] =	dma.local @!p0 [hbm:s0], s1  }
0x77: {  	s0 =	simm.s32 @!p0 $0x2  }
0x78: {  	_ =	swait.ge @!p0 [sflag:s0], s1  }
0x79: {  	s1 =	ssub.s32 @!p0 $0x0, s1;
	[sflag:s0] =	ssyncset.done @!p0 $0x0  }
0x7a: {  	[sflag:s0] =	ssyncadd.s32 @!p0 s1  }
0x7b: {  	[bflag:$0x3] =	sbarrier.arrive $0xFFFF  }
0x7c: {  	_ =	shalt  }

// kernel: kernel.6.cloned.1.call-start
scs
__scs_entry_jumppad:
0x0: {  	(pc) =	sbr.rel $0x88, $3  }
0x1: {  	(tag) =	ssettag $0x0;
	lr =	simm.s32 $0x1  }
0x2: {  	[smem:$0x3F9B] =	sst lr;
	_ =	strace $0xD0000000  }
0x3: {  	_ = 	snop  }
0x4: {  	_ = 	snop  }
0x5: {  	_ = 	snop  }
0x6: {  	_ = 	snop  }
0x7: {  	_ = 	snop  }
__scs_overlays_trampoline_lowered:
0x8: {  	[smem:$0x3FAA] =	sst s0  }
0x9: {  	[smem:$0x3FAB] =	sst s1  }
0xa: {  	[smem:$0x3FAC] =	sst s2  }
0xb: {  	[smem:$0x3FAD] =	sst s3  }
0xc: {  	[smem:$0x3FAE] =	sst s4  }
0xd: {  	[smem:$0x3FAF] =	sst s5  }
0xe: {  	[smem:$0x3FB0] =	sst s6  }
0xf: {  	[smem:$0x3FB1] =	sst s7  }
0x10: {  	[smem:$0x3FB2] =	sst s8  }
0x11: {  	[smem:$0x3FB3] =	sst s9;
	s0 =	simm.s32 @!p0 $0x0  }
0x12: {  	s1 =	sld [smem:$0x3F99];
	s0 =	simm.s32 @p0 $0x1  }
0x13: {  	[smem:$0x3FB4] =	sst s0;
	s0 =	simm.s32 @!p1 $0x0  }
0x14: {  	s2 =	sld [smem:$0x3F98];
	s0 =	simm.s32 @p1 $0x1  }
0x15: {  	[smem:$0x3FB5] =	sst s0;
	s0 =	simm.s32 @!p2 $0x0  }
0x16: {  	s3 =	sld [smem:$0x3FDB];
	s0 =	simm.s32 @p2 $0x1  }
0x17: {  	s4 =	simm.s32 $0x1BF5;
	[smem:$0x3FB7] =	sst s0  }
0x18: {  	s0 =	sld [smem:$0x3F9A];
	_ =	swait.ge [sflag:s4], $0x0  }
0x19: {  	s7 =	sld [smem:$0x3F9B]  }
0x1a: {  	s8 =	sadd.s32 $0xFFFFE003, lr  }
0x1b: {  	s9 =	sadd.s32 $0xFFFFFEF7, lr;
	s5 =	simm.s32 $0xFFFFFFFF;
	p2 =	slt.u32 s8, $0xFFFFF086  }
0x1c: {  	p1 =	slt.u32 s9, $0xF7A;
	s5 =	simm.s32 @!p2 $0x0  }
0x1d: {  	s5 =	simm.s32 @p1 $0x1;
	p0 =	seq.s32 s7, s2  }
0x1e: {  	s7 =	smul.u32 @!p0 $0xF7A, s2;
	p2 =	seq.s32 @!p0 s5, $0x0  }
0x1f: {  	s9 =	smul.u32 $0xF7A, s1;
	s8 =	simm.s32 @!p0 $0x1BF5;
	p2 =	por !p2, p0  }
0x20: {  	[sflag:s8] =	ssyncset.s32 @!p0 $0xFFFFF086;
	s6 =	sadd.s32 @!p0 s3, s7;
	s7 =	simm.s32 @!p0 $0x108  }
0x21: {  	s3 =	sadd.s32 s3, s9;
	s6 =	sadd.s32 @!p0 $0x88, s6;
	s7 =	simm.s32 @p2 $0x1082  }
0x22: {  	[simem:s7], [sflag:s8] =	dma.local @!p0 [hbm:s6], $0xF7A  }
0x23: {  	s9 =	sor.u32 $0xD0000000, s2;
	s6 =	simm.s32 $0x108;
	_ =	swait.ge @!p0 [sflag:s8], $0x0  }
0x24: {  	s3 =	sadd.s32 $0x88, s3;
	s6 =	simm.s32 @!p1 $0x1082;
	[sflag:s4] =	ssyncset.s32 $0xFFFFF086  }
0x25: {  	[simem:s6], [sflag:s4] =	dma.local [hbm:s3], $0xF7A  }
0x26: {  	[smem:$0x3F9B] =	sst s1;
	(tag) =	ssettag s2;
	_ =	strace s9  }
0x27: {  	s1 =	sld [smem:$0x3FAB]  }
0x28: {  	s2 =	sld [smem:$0x3FAC]  }
0x29: {  	s4 =	sld [smem:$0x3FAE]  }
0x2a: {  	p0 =	seq.s32 s5, $0x0;
	s5 =	sld [smem:$0x3FAF]  }
0x2b: {  	s6 =	sld [smem:$0x3FB0]  }
0x2c: {  	s7 =	sld [smem:$0x3FB1]  }
0x2d: {  	s3 =	simm.s32 $0x108;
	s8 =	sld [smem:$0x3FB2]  }
0x2e: {  	s3 =	simm.s32 @!p0 $0x1082;
	s9 =	sld [smem:$0x3FB3]  }
0x2f: {  	lr =	sadd.s32 s0, s3;
	s0 =	sld [smem:$0x3FAA]  }
0x30: {  	s3 =	sld [smem:$0x3FAD]  }
0x31: {  	[smem:$0x3FB6] =	sst s10  }
0x32: {  	s10 =	sld [smem:$0x3FB4];
	_ =	sdelay $0x3  }
0x33: {  	p0 =	seq.s32 s10, $0x1;
	s10 =	sld [smem:$0x3FB6];
	_ =	sdelay $0x3  }
0x34: {  	[smem:$0x3FB6] =	sst s10  }
0x35: {  	s10 =	sld [smem:$0x3FB5];
	_ =	sdelay $0x3  }
0x36: {  	p1 =	seq.s32 s10, $0x1;
	s10 =	sld [smem:$0x3FB6];
	_ =	sdelay $0x3  }
0x37: {  	[smem:$0x3FB6] =	sst s10  }
0x38: {  	s10 =	sld [smem:$0x3FB7]  }
0x39: {  	_ = 	snop;
	(pc) =	sbr.ind lr, $3  }
0x3a: {  	_ = 	snop  }
0x3b: {  	_ = 	snop  }
0x3c: {  	p2 =	seq.s32 s10, $0x1;
	s10 =	sld [smem:$0x3FB6]  }
0x3d: {  	_ =	shalt  }
0x3e: {  	_ =	shalt  }
0x3f: {  	_ =	shalt  }
0x40: {  	_ =	shalt  }
0x41: {  	_ =	shalt  }
0x42: {  	_ =	shalt  }
0x43: {  	_ =	shalt  }
0x44: {  	_ =	shalt  }
0x45: {  	_ =	shalt  }
0x46: {  	_ =	shalt  }
0x47: {  	_ =	shalt  }
0x48: {  	_ =	shalt  }
0x49: {  	_ =	shalt  }
0x4a: {  	_ =	shalt  }
0x4b: {  	_ =	shalt  }
0x4c: {  	_ =	shalt  }
0x4d: {  	_ =	shalt  }
0x4e: {  	_ =	shalt  }
0x4f: {  	_ =	shalt  }
0x50: {  	_ =	shalt  }
0x51: {  	_ =	shalt  }
0x52: {  	_ =	shalt  }
0x53: {  	_ =	shalt  }
0x54: {  	_ =	shalt  }
0x55: {  	_ =	shalt  }
0x56: {  	_ =	shalt  }
0x57: {  	_ =	shalt  }
0x58: {  	_ =	shalt  }
0x59: {  	_ =	shalt  }
0x5a: {  	_ =	shalt  }
0x5b: {  	_ =	shalt  }
0x5c: {  	_ =	shalt  }
0x5d: {  	_ =	shalt  }
0x5e: {  	_ =	shalt  }
0x5f: {  	_ =	shalt  }
0x60: {  	_ =	shalt  }
0x61: {  	_ =	shalt  }
0x62: {  	_ =	shalt  }
0x63: {  	_ =	shalt  }
0x64: {  	_ =	shalt  }
0x65: {  	_ =	shalt  }
0x66: {  	_ =	shalt  }
0x67: {  	_ =	shalt  }
0x68: {  	_ =	shalt  }
0x69: {  	_ =	shalt  }
0x6a: {  	_ =	shalt  }
0x6b: {  	_ =	shalt  }
0x6c: {  	_ =	shalt  }
0x6d: {  	_ =	shalt  }
0x6e: {  	_ =	shalt  }
0x6f: {  	_ =	shalt  }
0x70: {  	_ =	shalt  }
0x71: {  	_ =	shalt  }
0x72: {  	_ =	shalt  }
0x73: {  	_ =	shalt  }
0x74: {  	_ =	shalt  }
0x75: {  	_ =	shalt  }
0x76: {  	_ =	shalt  }
0x77: {  	_ =	shalt  }
0x78: {  	_ =	shalt  }
0x79: {  	_ =	shalt  }
0x7a: {  	_ =	shalt  }
0x7b: {  	_ =	shalt  }
0x7c: {  	_ =	shalt  }
0x7d: {  	_ =	shalt  }
0x7e: {  	_ =	shalt  }
0x7f: {  	_ =	shalt  }
0x80: {  	_ =	shalt  }
0x81: {  	_ =	shalt  }
0x82: {  	_ =	shalt  }
0x83: {  	_ =	shalt  }
0x84: {  	_ =	shalt  }
0x85: {  	_ =	shalt  }
0x86: {  	_ =	shalt  }
0x87: {  	_ =	shalt  }
.Lfunc_end0:
.L_simem_size_0:
called_computation_lowered:
.L_overlay_start_0:
0x88: {  	s2 =	sld [smem:$0x3FD9]  }
0x89: {  	s3 =	sld [smem:$0x3FFE];
	_ =	sdelay $0x1  }
0x8a: {  	s1 =	srdreg.scid  }
0x8b: {  	s0 =	sand.u32 $0x1, s1  }
0x8c: {  	s17 =	sshll.u32 s0, $0xA;
	s2 =	sadd.s32 s3, s2  }
0x8d: {  	s2 =	sadd.s32 s2, s17  }
0x8e: {  	[smem:$0x3FC2] =	sst s2  }
0x8f: {  	_ = 	snop  }
0x90: {  	s2 =	sld [smem:$0x3FD0];
	(tm) =	ssettm $0x1  }
0x91: {  	s18 =	sld [smem:$0x3FFB];
	_ =	sdelay $0x3  }
0x92: {  	_ =	strace s18  }
0x93: {  	s3 =	sld [smem:$0x3FFC];
	_ =	sdelay $0x3  }
0x94: {  	_ =	strace s3  }
0x95: {  	s3 =	sld [smem:$0x3FFD];
	_ =	sdelay $0x3  }
0x96: {  	_ =	strace s3  }
0x97: {  	_ =	strace $0x8FFFFFFF  }
0x98: {  	s19 =	sld [smem:$0x3FDB];
	_ =	sdelay $0x1  }
0x99: {  	s4 =	simm.s32 $_scs_section_size  }
0x9a: {  	s5 =	simm.s32 $_size__tile_overlayer_lowered;
	s6 =	simm.s32 $_tile_overlayer_lowered  }
0x9b: {  	s22 =	simm.s32 $0x1BFF;
	s21 =	sshll.u32 s6, $0x1;
	s3 =	sadd.s32 s4, s19  }
0x9c: {  	s7 =	simm.s32 $0x0;
	s20 =	sshll.u32 s5, $0x1;
	s5 =	sadd.s32 s21, s3  }
0x9d: {  	[timem:s7], [sflag:s22] =	dma.local [hbm:s5], s20  }
0x9e: {  	_ =	swait.ge [sflag:s22], s20  }
0x9f: {  	s4 =	ssub.s32 $0x0, s20;
	[sflag:s22] =	ssyncset.done $0x0  }
0xa0: {  	[sflag:s22] =	ssyncadd.s32 s4;
	_ =	sdelay $0x1  }
0xa1: {  	s23 =	simm.s32 $0x1B8B  }
0xa2: {  	_ =	swait.ge [sflag:s23], $0x1  }
0xa3: {  	[sflag:s23] =	ssyncset.done $0x0  }
0xa4: {  	s25 =	simm.s32 $0x1B8E;
	s24 =	sld [smem:$0x3FFE];
	[sflag:s23] =	ssyncadd.s32 $0xFFFFFFFF  }
0xa5: {  	s26 =	simm.s32 $execute0_lowered;
	[smem:$0x3FD2] =	sst s25  }
0xa6: {  	s5 =	sshll.u32 s26, $0x1;
	_ =	strace $0x80000046;
	[dreg:$0x1] =	wrdreg $0xFFFFFFFF  }
0xa7: {  	s28 =	simm.s32 $_size_execute0_lowered;
	s3 =	sadd.s32 s3, s5;
	[dreg:$0x0] =	wrdreg $0x0  }
0xa8: {  	s5 =	sshll.u32 s28, $0x1;
	[dreg:$0x2] =	wrdreg s3  }
0xa9: {  	[dreg:$0x3] =	wrdreg s5  }
0xaa: {  	[dreg:$0x4] =	wrdreg $0xC0  }
0xab: {  	_ =	task [dreg:s7], $0x5FFFF  }
0xac: {  	[dreg:$0x1] =	wrdreg $0xFFFFFFFF  }
0xad: {  	[dreg:$0x0] =	wrdreg $0x60  }
0xae: {  	[dreg:$0x2] =	wrdreg s24  }
0xaf: {  	[dreg:$0x3] =	wrdreg s2  }
0xb0: {  	[dreg:$0x4] =	wrdreg $0x9  }
0xb1: {  	_ =	task.clear_ibuf [dreg:s7], $0x5FFFF;
	_ =	strace $0x90000046  }
0xb2: {  	s29 =	simm.s32 $0x9;
	_ =	strace $0x80000048  }
0xb3: {  	_ =	swait.ge [sflag:s29], $0x1  }
0xb4: {  	[sflag:s29] =	ssyncadd.s32 $0xFFFFFFFF  }
0xb5: {  	_ =	strace $0x90000048  }
0xb6: {  	_ =	sfence  }
0xb7: {  	s30 =	sld [smem:$0x0];
	_ =	sdelay $0x2  }
0xb8: {  	s31 =	sshll.u32 s1, $0xD;
	s1 =	sshrl.u32 s1, $0x2  }
0xb9: {  	s3 =	sand.u32 $0x4000, s31;
	s1 =	sadd.s32 s1, s30  }
0xba: {  	s0 =	sor.u32 s3, s0;
	s1 =	sshll.u32 s1, $0x11  }
0xbb: {  	s0 =	sor.u32 s1, s0  }
0xbc: {  	s0 =	sadd.s32 $0x8F2B, s0  }
0xbd: {  	[sflag:s0] =	ssyncadd.remote.s32 $0x1  }
0xbe: {  	_ =	sfence.sel $0xFFFF  }
0xbf: {  	[dreg:$0x0] =	wrdreg $0xFFFFFFFF;
	(pc) =	sbr.abs _section_cstart, $3  }
0xc0: {  	[dreg:$0x1] =	wrdreg $0xFFFFFFFF  }
0xc1: {  	_ =	task.clear_ibuf [dreg:s7], $0x2FFFF;
	_ =	strace $0x9FFFFFFF  }
0xc2: {  	(tm) =	ssettm $0x7FFFFFFF  }
0xc3: {  	_ =	shalt  }
tec
execute0_lowered:
.L_overlay_start_1:
0x0: {  	(tag) =	ssettag $0x1  }
0x1: {  	s0 =	srdreg.scid  }
0x2: {  	s3 =	sand.u32 $0x1, s0;
	s0 =	stileid.u32  }
0x3: {  	s4 =	sshll.u32 s0, $0x1;
	s6 =	ssub.s32 $0x0, s3  }
0x4: {  	p0 =	sne.s32 s4, s6  }
.Ltmp0:
0x5: {  	_ = 	snop;
	(pc) =	sbr.rel @p0 .LBB2_7-.Ltmp0, $4  }
0x6: {  	_ = 	snop  }
0x7: {  	s5 =	rddreg [dreg:$0x0]  }
0x8: {  	s2 =	rddreg [dreg:$0x1]  }
0x9: {  	s1 =	rddreg [dreg:$0x2];
	_ =	strace $0x80000047  }
0xa: {  	s6 =	ssub.s32 $0x2, s3;
	s3 =	sadd.s32 $0x200, s5;
	s4 =	sadd.s32 $0x600, s5  }
0xb: {  	s5 =	sadd.s32 $0x400, s5;
	s8 =	simm.s32 $0x1;
	s9 =	simm.s32 $0x1000  }
0xc: {  	v0 =	vlaneseq.u32;
	s10 =	simm.s32 $0x1180;
	s11 =	simm.s32 $0x1080;
	s7 =	sshrl.u32 s6, $0x1  }
0xd: {  	v1 =	vimm.s32 $0x0;
	s12 =	simm.s32 $0x800;
	s13 =	simm.s32 $0x1200;
	v2 =	vor.u32 $0x10, v0;
	v3 =	vor.u32 $0x20, v0;
	s6 =	ssub.s32 s6, s7  }
0xe: {  	s14 =	simm.s32 $0x0;
	v4 =	vor.u32 $0x30, v0;
	v5 =	vor.u32 $0x40, v0;
	v6 =	vor.u32 $0x50, v0;
	s7 =	simm.s32 $0x0;
	s6 =	smax.u32 s6, $0x1  }
.LBB2_2:
0xf: {  	[tilespmem:s7], [sflag:$0x1] =	stream.linear.gather [hbm4b:s3+s7], $0x800, $0x38;
	[tilespmem:$0x1280] =	vst v63  }
0x10: {  	_ =	swait.ge [sflag:s8], $0x800  }
0x11: {  	[sflag:s8] =	ssyncset.done $0x0  }
0x12: {  	[sflag:s8] =	ssyncadd.s32 $0xFFFFF800  }
0x13: {  	[tilespmem:$0x1000] =	vst v1  }
0x14: {  	[tilespmem:$0x1010] =	vst v1  }
0x15: {  	[tilespmem:$0x1020] =	vst v1  }
0x16: {  	s15 =	simm.s32 $0x0;
	s16 =	simm.s32 $0x40;
	[tilespmem:$0x1030] =	vst v1  }
.LBB2_3:
0x17: {  	p0 =	sne.s32 s16, $0x1FC0;
	v7 =	vld [tilespmem:s15+$0x0];
	_ =	sdelay $0x4  }
0x18: {  	(xrf1) =	vunique.msk.u32 $0xffff, v7;
	_ =	sdelay $0x2  }
0x19: {  	v8 =	vld.idx.msk [tilespmem:v7+s9+$0x0], $0xffff;
	_ =	sdelay $0xa  }
0x1a: {  	_, v9, vm0 =	vpop (xrf1);
	_ =	sdelay $0x1  }
.Ltmp1:
0x1b: {  	(pc) =	sbr.rel @p0 .LBB2_3-.Ltmp1, $4  }
0x1c: {  	v8 =	vadd.s32 v8, v9  }
0x1d: {  	v9 =	vadd.s32 $0xFFFFFFFF, v8  }
0x1e: {  	[tilespmem:s15+$0x800] =	vst v9  }
0x1f: {  	s15 =	sshra.s32 s16, $0x2;
	s16 =	sadd.s32 $0x40, s16;
	[tilespmem:v7+s9+$0x0] =	vst.idx.msk vm0, v8  }
0x20: {  	v7 =	vld [tilespmem:s15+$0x0];
	_ =	sdelay $0x4  }
0x21: {  	(xrf1) =	vunique.msk.u32 $0xffff, v7;
	_ =	sdelay $0xb  }
0x22: {  	v8 =	vld.idx.msk [tilespmem:v7+s9+$0x0], $0xffff;
	_ =	sdelay $0x1  }
0x23: {  	_, v9, vm0 =	vpop (xrf1);
	_ =	sdelay $0x2  }
0x24: {  	v8 =	vadd.s32 v8, v9  }
0x25: {  	v9 =	vadd.s32 $0xFFFFFFFF, v8  }
0x26: {  	[tilespmem:s15+$0x800] =	vst v9  }
0x27: {  	[tilespmem:v7+s9+$0x0] =	vst.idx.msk vm0, v8  }
0x28: {  	v7 =	vld [tilespmem:$0x1000];
	_ =	sdelay $0x2  }
0x29: {  	v8 =	vld [tilespmem:$0x1010];
	_ =	sdelay $0x1  }
0x2a: {  	v7 =	vadd.s32 $0x3F, v7  }
0x2b: {  	v9 =	vshra.s32 v7, $0x1F;
	v10 =	vand.u32 $0x3F, v7  }
0x2c: {  	vm9 =	vlt.s32 v7, $0x1;
	v9 =	vshrl.u32 v9, $0x1A;
	vm1 =	vne.s32 v10, $0x0;
	v10 =	vld [tilespmem:$0x1020]  }
0x2d: {  	v8 =	vadd.s32 $0x3F, v8;
	v7 =	vadd.s32 v9, v7;
	vm0 =	vmand vm9, vm1  }
0x2e: {  	v11 =	vshra.s32 v8, $0x1F;
	v7 =	vshra.s32 v7, $0x6;
	v9 =	vsel vm0, $0xFFFFFFFF, v1  }
0x2f: {  	v7 =	vadd.s32 v9, v7;
	v9 =	vshrl.u32 v11, $0x1A;
	v11 =	vand.u32 $0x3F, v8  }
0x30: {  	vm10 =	vlt.s32 v8, $0x1;
	v9 =	vadd.s32 v9, v8;
	vm11 =	vne.s32 v11, $0x0;
	v8 =	vld [tilespmem:$0x1030]  }
0x31: {  	v9 =	vshra.s32 v9, $0x6;
	vm0 =	vmand vm10, vm11;
	v10 =	vadd.s32 $0x3F, v10  }
0x32: {  	v11 =	vsel vm0, $0xFFFFFFFF, v1;
	v12 =	vshra.s32 v10, $0x1F;
	v13 =	vand.u32 $0x3F, v10  }
0x33: {  	vm12 =	vlt.s32 v10, $0x1;
	v12 =	vshrl.u32 v12, $0x1A;
	vm13 =	vne.s32 v13, $0x0  }
0x34: {  	(xrf0) =	vadd.scan.msk.s32 $0xffff, v7;
	v9 =	vadd.s32 v11, v9;
	v10 =	vadd.s32 v12, v10;
	vm0 =	vmand vm12, vm13  }
0x35: {  	v10 =	vshra.s32 v10, $0x6;
	v11 =	vsel vm0, $0xFFFFFFFF, v1;
	v8 =	vadd.s32 $0x3F, v8  }
0x36: {  	(xrf0) =	vadd.scan.msk.s32 $0xffff, v9;
	v10 =	vadd.s32 v11, v10;
	v11 =	vshra.s32 v8, $0x1F  }
0x37: {  	v54 =	vand.u32 $0x3F, v8;
	v11 =	vshrl.u32 v11, $0x1A  }
0x38: {  	vm14 =	vlt.s32 v8, $0x1;
	vm15 =	vne.s32 v54, $0x0  }
0x39: {  	(xrf0) =	vadd.scan.msk.s32 $0xffff, v10;
	v8 =	vadd.s32 v11, v8;
	vm0 =	vmand vm14, vm15  }
0x3a: {  	v8 =	vshra.s32 v8, $0x6;
	v55 =	vsel vm0, $0xFFFFFFFF, v1;
	v11, _, _ =	vpop (xrf0)  }
0x3b: {  	v58 =	vld [tilespmem:$0x1000];
	v8 =	vadd.s32 v55, v8;
	v56 =	vbroadcast v11, $0xF  }
0x3c: {  	v57, _, _ =	vpop (xrf0);
	(xrf0) =	vadd.scan.msk.s32 $0xffff, v8  }
0x3d: {  	v12 =	vadd.s32 v56, v57  }
0x3e: {  	v14 =	vbroadcast v12, $0xF  }
0x3f: {  	v7 =	vsub.s32 v11, v7;
	v15, _, _ =	vpop (xrf0)  }
0x40: {  	v13 =	vadd.s32 $0x3F, v58;
	[tilespmem:$0x1100] =	vst v11;
	v7 =	vshll.u32 v7, $0x6;
	v11 =	vadd.s32 v14, v15  }
0x41: {  	[tilespmem:$0x1080] =	vst v7;
	v7 =	vsub.s32 v12, v9;
	v9 =	vsub.s32 v11, v10;
	v10 =	vbroadcast v11, $0xF  }
0x42: {  	[tilespmem:$0x1180] =	vst v1;
	v60 =	vand.u32 $0x3F, v13;
	v7 =	vshll.u32 v7, $0x6;
	v59, _, _ =	vpop (xrf0)  }
0x43: {  	vm4 =	vlt.s32 v13, $0x1;
	[tilespmem:$0x1090] =	vst v7;
	v7 =	vadd.s32 v10, v59;
	v10 =	vshra.s32 v13, $0x1F  }
0x44: {  	vm5 =	vne.s32 v60, $0x0;
	[tilespmem:$0x1120] =	vst v11;
	v11 =	vld [tilespmem:$0x1100];
	v9 =	vshll.u32 v9, $0x6;
	v10 =	vshrl.u32 v10, $0x1A  }
0x45: {  	vm0 =	vmand vm4, vm5;
	[tilespmem:$0x10A0] =	vst v9;
	v8 =	vsub.s32 v7, v8;
	v9 =	vadd.s32 v10, v13  }
0x46: {  	[tilespmem:$0x1190] =	vst v1;
	v8 =	vshll.u32 v8, $0x6;
	v10 =	vsel vm0, $0xFFFFFFFF, v1;
	v9 =	vshra.s32 v9, $0x6  }
0x47: {  	[tilespmem:$0x10B0] =	vst v8;
	v8 =	vadd.s32 v10, v9  }
0x48: {  	[tilespmem:$0x11A0] =	vst v1;
	vm6 =	vgt.s32 v8, $0x0  }
0x49: {  	[tilespmem:$0x11B0] =	vst v1;
	v8 =	vsub.s32 v11, v8  }
0x4a: {  	[tilespmem:$0x11C0] =	vst v1  }
0x4b: {  	[tilespmem:$0x11D0] =	vst v1  }
0x4c: {  	[tilespmem:$0x1110] =	vst v12  }
0x4d: {  	[tilespmem:$0x1130] =	vst v7  }
0x4e: {  	[tilespmem:v8+s10+$0x0] =	vst.idx.msk vm6, v0  }
0x4f: {  	v8 =	vld [tilespmem:$0x1010];
	_ =	sdelay $0x4  }
0x50: {  	v8 =	vadd.s32 $0x3F, v8  }
0x51: {  	v9 =	vshra.s32 v8, $0x1F;
	v10 =	vand.u32 $0x3F, v8  }
0x52: {  	vm7 =	vlt.s32 v8, $0x1;
	v9 =	vshrl.u32 v9, $0x1A;
	vm8 =	vne.s32 v10, $0x0;
	v10 =	vld [tilespmem:$0x1110]  }
0x53: {  	v8 =	vadd.s32 v9, v8;
	vm0 =	vmand vm7, vm8  }
0x54: {  	v8 =	vshra.s32 v8, $0x6;
	v9 =	vsel vm0, $0xFFFFFFFF, v1  }
0x55: {  	v8 =	vadd.s32 v9, v8  }
0x56: {  	vm9 =	vgt.s32 v8, $0x0  }
0x57: {  	v8 =	vsub.s32 v10, v8;
	_ =	sdelay $0x4  }
0x58: {  	[tilespmem:v8+s10+$0x0] =	vst.idx.msk vm9, v2  }
0x59: {  	v8 =	vld [tilespmem:$0x1020];
	_ =	sdelay $0x4  }
0x5a: {  	v8 =	vadd.s32 $0x3F, v8  }
0x5b: {  	v9 =	vshra.s32 v8, $0x1F;
	v10 =	vand.u32 $0x3F, v8  }
0x5c: {  	vm10 =	vlt.s32 v8, $0x1;
	v9 =	vshrl.u32 v9, $0x1A;
	vm11 =	vne.s32 v10, $0x0;
	v10 =	vld [tilespmem:$0x1120]  }
0x5d: {  	v8 =	vadd.s32 v9, v8;
	vm0 =	vmand vm10, vm11  }
0x5e: {  	v8 =	vshra.s32 v8, $0x6;
	v9 =	vsel vm0, $0xFFFFFFFF, v1  }
0x5f: {  	v8 =	vadd.s32 v9, v8  }
0x60: {  	vm12 =	vgt.s32 v8, $0x0  }
0x61: {  	v8 =	vsub.s32 v10, v8;
	_ =	sdelay $0x4  }
0x62: {  	[tilespmem:v8+s10+$0x0] =	vst.idx.msk vm12, v3  }
0x63: {  	v8 =	vld [tilespmem:$0x1030];
	_ =	sdelay $0x4  }
0x64: {  	v8 =	vadd.s32 $0x3F, v8  }
0x65: {  	v9 =	vshra.s32 v8, $0x1F;
	v10 =	vand.u32 $0x3F, v8  }
0x66: {  	vm13 =	vlt.s32 v8, $0x1;
	v9 =	vshrl.u32 v9, $0x1A;
	vm14 =	vne.s32 v10, $0x0;
	v10 =	vld [tilespmem:$0x1130]  }
0x67: {  	v8 =	vadd.s32 v9, v8;
	vm0 =	vmand vm13, vm14  }
0x68: {  	v8 =	vshra.s32 v8, $0x6;
	v9 =	vsel vm0, $0xFFFFFFFF, v1  }
0x69: {  	v8 =	vadd.s32 v9, v8  }
0x6a: {  	vm15 =	vgt.s32 v8, $0x0  }
0x6b: {  	v8 =	vsub.s32 v10, v8;
	_ =	sdelay $0x4  }
0x6c: {  	[tilespmem:v8+s10+$0x0] =	vst.idx.msk vm15, v4  }
0x6d: {  	v8 =	vld [tilespmem:$0x1180];
	_ =	sdelay $0x3  }
0x6e: {  	v9 =	vld [tilespmem:$0x1190]  }
0x6f: {  	v8 =	vxor.u32 $0x80000000, v8  }
0x70: {  	(xrf0) =	vmax.scan.msk.u32 $0xffff, v8;
	_ =	sdelay $0x1  }
0x71: {  	v8 =	vld [tilespmem:$0x11A0]  }
0x72: {  	v9 =	vxor.u32 $0x80000000, v9  }
0x73: {  	(xrf0) =	vmax.scan.msk.u32 $0xffff, v9;
	_ =	sdelay $0x1  }
0x74: {  	v10 =	vld [tilespmem:$0x11B0];
	v9, _, _ =	vpop (xrf0)  }
0x75: {  	v8 =	vxor.u32 $0x80000000, v8;
	v9 =	vxor.u32 $0x80000000, v9  }
0x76: {  	(xrf0) =	vmax.scan.msk.u32 $0xffff, v8;
	vm4 =	vgt.s32 v9, $0x0  }
0x77: {  	v8 =	vnsel vm4, $0x0, v9  }
0x78: {  	v61 =	vld [tilespmem:$0x11C0];
	v9, _, _ =	vpop (xrf0);
	v11 =	vbroadcast v8, $0xF  }
0x79: {  	v10 =	vxor.u32 $0x80000000, v10;
	v9 =	vxor.u32 $0x80000000, v9  }
0x7a: {  	(xrf0) =	vmax.scan.msk.u32 $0xffff, v10;
	vm5 =	vgt.s32 v9, v11  }
0x7b: {  	v9 =	vsel vm5, v9, v11  }
0x7c: {  	v62 =	vld [tilespmem:$0x11D0];
	v10, _, _ =	vpop (xrf0);
	v11 =	vbroadcast v9, $0xF  }
0x7d: {  	v12 =	vxor.u32 $0x80000000, v61;
	v10 =	vxor.u32 $0x80000000, v10  }
0x7e: {  	v7 =	vbroadcast v7, $0xF;
	(xrf0) =	vmax.scan.msk.u32 $0xffff, v12;
	vm6 =	vgt.s32 v10, v11  }
0x7f: {  	v10 =	vsel vm6, v10, v11  }
0x80: {  	vm7 =	vgt.s32 v7, v0;
	vm9 =	vgt.s32 v7, v2;
	v11, _, _ =	vpop (xrf0);
	v63 =	vbroadcast v10, $0xF  }
0x81: {  	v13 =	vxor.u32 $0x80000000, v62;
	[tilespmem:$0x1180] =	vst v8;
	v8 =	vsel vm7, $0x1, v1;
	v11 =	vxor.u32 $0x80000000, v11  }
0x82: {  	vm10 =	vgt.s32 v7, v3;
	[tilespmem:$0x1200] =	vst v8;
	(xrf0) =	vmax.scan.msk.u32 $0xffff, v13;
	vm8 =	vgt.s32 v11, v63  }
0x83: {  	vm12 =	vgt.s32 v7, v4;
	[tilespmem:$0x1190] =	vst v9;
	v9 =	vsel vm9, $0x1, v1;
	v8 =	vsel vm8, v11, v63  }
0x84: {  	vm13 =	vgt.s32 v7, v5;
	vm15 =	vgt.s32 v7, v6;
	[tilespmem:$0x1210] =	vst v9;
	v11, _, _ =	vpop (xrf0);
	v12 =	vbroadcast v8, $0xF  }
0x85: {  	v7 =	vsel vm15, $0x1, v1;
	[tilespmem:$0x11A0] =	vst v10;
	v10 =	vsel vm10, $0x1, v1;
	v9 =	vxor.u32 $0x80000000, v11  }
0x86: {  	[tilespmem:$0x1250] =	vst v7;
	vm11 =	vgt.s32 v9, v12  }
0x87: {  	[tilespmem:$0x1220] =	vst v10;
	v9 =	vsel vm11, v9, v12  }
0x88: {  	[tilespmem:$0x11B0] =	vst v8;
	v8 =	vsel vm12, $0x1, v1;
	v10, _, _ =	vpop (xrf0);
	v11 =	vbroadcast v9, $0xF  }
0x89: {  	[tilespmem:$0x1230] =	vst v8;
	v8 =	vxor.u32 $0x80000000, v10  }
0x8a: {  	[tilespmem:$0x11C0] =	vst v9;
	v9 =	vsel vm13, $0x1, v1;
	vm14 =	vgt.s32 v8, v11  }
0x8b: {  	[tilespmem:$0x1240] =	vst v9;
	v8 =	vsel vm14, v8, v11  }
0x8c: {  	s16 =	simm.s32 $0x0;
	[tilespmem:$0x11D0] =	vst v8  }
0x8d: {  	v8 =	vld [tilespmem:s16+$0x0];
	_ =	sdelay $0x5  }
0x8e: {  	s15 =	simm.s32 $0x10  }
0x8f: {  	v7 =	vld [tilespmem:s15+$0x0]  }
0x90: {  	s17 =	simm.s32 $0x80;
	v8 =	vld.idx.msk [tilespmem:v8+s11+$0x0], $0xffff  }
.LBB2_5:
0x91: {  	p0 =	sne.s32 s17, $0x1FC0;
	v9 =	vld [tilespmem:s16+$0x800];
	_ =	sdelay $0x2  }
0x92: {  	v10 =	vmov v7  }
.Ltmp2:
0x93: {  	(pc) =	sbr.rel @p0 .LBB2_5-.Ltmp2, $4  }
0x94: {  	v7 =	vadd.s32 v9, v8  }
0x95: {  	[tilespmem:s16+$0x800] =	vst v7;
	s16 =	smov.u32 s15;
	s15 =	sshra.s32 s17, $0x2  }
0x96: {  	v7 =	vld [tilespmem:s15+$0x0]  }
0x97: {  	s17 =	sadd.s32 $0x40, s17;
	v8 =	vld.idx.msk [tilespmem:v10+s11+$0x0], $0xffff  }
0x98: {  	v9 =	vld [tilespmem:s16+$0x800];
	_ =	sdelay $0x4  }
0x99: {  	v8 =	vadd.s32 v9, v8  }
0x9a: {  	[tilespmem:s16+$0x800] =	vst v8  }
0x9b: {  	v7 =	vld.idx.msk [tilespmem:v7+s11+$0x0], $0xffff  }
0x9c: {  	v8 =	vld [tilespmem:s15+$0x800];
	_ =	sdelay $0x4  }
0x9d: {  	v7 =	vadd.s32 v8, v7  }
0x9e: {  	[tilespmem:s15+$0x800] =	vst v7  }
0x9f: {  	[hbm4b:s4+s7] =	stream.linear.scatter [tilespmem:s12], [sflag:$0x1], $0x800, $0x38;
	[tilespmem:$0x1280] =	vst v63  }
0xa0: {  	_ =	swait.ge [sflag:s8], $0x800  }
0xa1: {  	[sflag:s8] =	ssyncset.done $0x0  }
0xa2: {  	[sflag:s8] =	ssyncadd.s32 $0xFFFFF800  }
0xa3: {  	[hbm4b:s2+s7] =	stream.linear.scatter [tilespmem:s10], [sflag:$0x1], $0x80, $0x38;
	[tilespmem:$0x1280] =	vst v63  }
0xa4: {  	s14 =	sadd.s32 $0x1, s14;
	_ =	swait.ge [sflag:s8], $0x80  }
0xa5: {  	p0 =	sne.s32 s14, s6;
	[sflag:s8] =	ssyncset.done $0x0  }
.Ltmp3:
0xa6: {  	[sflag:s8] =	ssyncadd.s32 $0xFFFFFF80;
	(pc) =	sbr.rel @p0 .LBB2_2-.Ltmp3, $4  }
0xa7: {  	[hbm4b:s5+s7] =	stream.linear.scatter [tilespmem:s13], [sflag:$0x1], $0x80, $0x38;
	[tilespmem:$0x1280] =	vst v63  }
0xa8: {  	_ =	swait.ge [sflag:s8], $0x80  }
0xa9: {  	[sflag:s8] =	ssyncset.done $0x0  }
0xaa: {  	[sflag:s8] =	ssyncadd.s32 $0xFFFFFF80  }
.LBB2_7:
0xab: {  	_ =	sfence.sel $0x180000  }
0xac: {  	[bflag:$0x0] =	sbarrier.arrive $0xFFFF  }
0xad: {  	p0 =	sne.s32 s0, $0x0;
	_ =	strace $0x90000047  }
0xae: {  	s0 =	sadd.s32 @!p0 $0x100000, s1;
	[bflag:$0x2] =	sbarrier.arrive $0xFFFF  }
0xaf: {  	[sflag:s0] =	ssyncadd.tile.s32 @!p0 $0x1;
	_ =	shalt  }
.Lfunc_end2:
_tile_overlayer_lowered:
.L_overlay_start_2:
0xb0: {  	(tag) =	ssettag $0x2  }
0xb1: {  	s0 =	rddreg [dreg:$0x0];
	s2 =	stileid.u32  }
0xb2: {  	s1 =	rddreg [dreg:$0x1];
	p0 =	sne.s32 s2, $0x0  }
0xb3: {  	s3 =	rddreg [dreg:$0x2];
	[bflag:$0x3] =	sbarrier.arrive $0xFFFF;
	s2 =	simm.s32 @!p0 $0x1C02  }
0xb4: {  	[timem:s3], [sflag:s2] =	dma.local @!p0 [hbm:s0], s1  }
0xb5: {  	s0 =	simm.s32 @!p0 $0x2  }
0xb6: {  	_ =	swait.ge @!p0 [sflag:s0], s1  }
0xb7: {  	s1 =	ssub.s32 @!p0 $0x0, s1;
	[sflag:s0] =	ssyncset.done @!p0 $0x0  }
0xb8: {  	[sflag:s0] =	ssyncadd.s32 @!p0 s1  }
0xb9: {  	[bflag:$0x3] =	sbarrier.arrive $0xFFFF  }
0xba: {  	_ =	shalt  }

// kernel: kernel.9.cloned.1.call-start
scs
__scs_entry_jumppad:
0x0: {  	(pc) =	sbr.rel $0x88, $3  }
0x1: {  	(tag) =	ssettag $0x0;
	lr =	simm.s32 $0x1  }
0x2: {  	[smem:$0x3F9B] =	sst lr;
	_ =	strace $0xD0000000  }
0x3: {  	_ = 	snop  }
0x4: {  	_ = 	snop  }
0x5: {  	_ = 	snop  }
0x6: {  	_ = 	snop  }
0x7: {  	_ = 	snop  }
__scs_overlays_trampoline_lowered:
0x8: {  	[smem:$0x3FAA] =	sst s0  }
0x9: {  	[smem:$0x3FAB] =	sst s1  }
0xa: {  	[smem:$0x3FAC] =	sst s2  }
0xb: {  	[smem:$0x3FAD] =	sst s3  }
0xc: {  	[smem:$0x3FAE] =	sst s4  }
0xd: {  	[smem:$0x3FAF] =	sst s5  }
0xe: {  	[smem:$0x3FB0] =	sst s6  }
0xf: {  	[smem:$0x3FB1] =	sst s7  }
0x10: {  	[smem:$0x3FB2] =	sst s8  }
0x11: {  	[smem:$0x3FB3] =	sst s9;
	s0 =	simm.s32 @!p0 $0x0  }
0x12: {  	s1 =	sld [smem:$0x3F99];
	s0 =	simm.s32 @p0 $0x1  }
0x13: {  	[smem:$0x3FB4] =	sst s0;
	s0 =	simm.s32 @!p1 $0x0  }
0x14: {  	s2 =	sld [smem:$0x3F98];
	s0 =	simm.s32 @p1 $0x1  }
0x15: {  	[smem:$0x3FB5] =	sst s0;
	s0 =	simm.s32 @!p2 $0x0  }
0x16: {  	s3 =	sld [smem:$0x3FDB];
	s0 =	simm.s32 @p2 $0x1  }
0x17: {  	s4 =	simm.s32 $0x1BF5;
	[smem:$0x3FB7] =	sst s0  }
0x18: {  	s0 =	sld [smem:$0x3F9A];
	_ =	swait.ge [sflag:s4], $0x0  }
0x19: {  	s7 =	sld [smem:$0x3F9B]  }
0x1a: {  	s8 =	sadd.s32 $0xFFFFE003, lr  }
0x1b: {  	s9 =	sadd.s32 $0xFFFFFEF7, lr;
	s5 =	simm.s32 $0xFFFFFFFF;
	p2 =	slt.u32 s8, $0xFFFFF086  }
0x1c: {  	p1 =	slt.u32 s9, $0xF7A;
	s5 =	simm.s32 @!p2 $0x0  }
0x1d: {  	s5 =	simm.s32 @p1 $0x1;
	p0 =	seq.s32 s7, s2  }
0x1e: {  	s7 =	smul.u32 @!p0 $0xF7A, s2;
	p2 =	seq.s32 @!p0 s5, $0x0  }
0x1f: {  	s9 =	smul.u32 $0xF7A, s1;
	s8 =	simm.s32 @!p0 $0x1BF5;
	p2 =	por !p2, p0  }
0x20: {  	[sflag:s8] =	ssyncset.s32 @!p0 $0xFFFFF086;
	s6 =	sadd.s32 @!p0 s3, s7;
	s7 =	simm.s32 @!p0 $0x108  }
0x21: {  	s3 =	sadd.s32 s3, s9;
	s6 =	sadd.s32 @!p0 $0x88, s6;
	s7 =	simm.s32 @p2 $0x1082  }
0x22: {  	[simem:s7], [sflag:s8] =	dma.local @!p0 [hbm:s6], $0xF7A  }
0x23: {  	s9 =	sor.u32 $0xD0000000, s2;
	s6 =	simm.s32 $0x108;
	_ =	swait.ge @!p0 [sflag:s8], $0x0  }
0x24: {  	s3 =	sadd.s32 $0x88, s3;
	s6 =	simm.s32 @!p1 $0x1082;
	[sflag:s4] =	ssyncset.s32 $0xFFFFF086  }
0x25: {  	[simem:s6], [sflag:s4] =	dma.local [hbm:s3], $0xF7A  }
0x26: {  	[smem:$0x3F9B] =	sst s1;
	(tag) =	ssettag s2;
	_ =	strace s9  }
0x27: {  	s1 =	sld [smem:$0x3FAB]  }
0x28: {  	s2 =	sld [smem:$0x3FAC]  }
0x29: {  	s4 =	sld [smem:$0x3FAE]  }
0x2a: {  	p0 =	seq.s32 s5, $0x0;
	s5 =	sld [smem:$0x3FAF]  }
0x2b: {  	s6 =	sld [smem:$0x3FB0]  }
0x2c: {  	s7 =	sld [smem:$0x3FB1]  }
0x2d: {  	s3 =	simm.s32 $0x108;
	s8 =	sld [smem:$0x3FB2]  }
0x2e: {  	s3 =	simm.s32 @!p0 $0x1082;
	s9 =	sld [smem:$0x3FB3]  }
0x2f: {  	lr =	sadd.s32 s0, s3;
	s0 =	sld [smem:$0x3FAA]  }
0x30: {  	s3 =	sld [smem:$0x3FAD]  }
0x31: {  	[smem:$0x3FB6] =	sst s10  }
0x32: {  	s10 =	sld [smem:$0x3FB4];
	_ =	sdelay $0x3  }
0x33: {  	p0 =	seq.s32 s10, $0x1;
	s10 =	sld [smem:$0x3FB6];
	_ =	sdelay $0x3  }
0x34: {  	[smem:$0x3FB6] =	sst s10  }
0x35: {  	s10 =	sld [smem:$0x3FB5];
	_ =	sdelay $0x3  }
0x36: {  	p1 =	seq.s32 s10, $0x1;
	s10 =	sld [smem:$0x3FB6];
	_ =	sdelay $0x3  }
0x37: {  	[smem:$0x3FB6] =	sst s10  }
0x38: {  	s10 =	sld [smem:$0x3FB7]  }
0x39: {  	_ = 	snop;
	(pc) =	sbr.ind lr, $3  }
0x3a: {  	_ = 	snop  }
0x3b: {  	_ = 	snop  }
0x3c: {  	p2 =	seq.s32 s10, $0x1;
	s10 =	sld [smem:$0x3FB6]  }
0x3d: {  	_ =	shalt  }
0x3e: {  	_ =	shalt  }
0x3f: {  	_ =	shalt  }
0x40: {  	_ =	shalt  }
0x41: {  	_ =	shalt  }
0x42: {  	_ =	shalt  }
0x43: {  	_ =	shalt  }
0x44: {  	_ =	shalt  }
0x45: {  	_ =	shalt  }
0x46: {  	_ =	shalt  }
0x47: {  	_ =	shalt  }
0x48: {  	_ =	shalt  }
0x49: {  	_ =	shalt  }
0x4a: {  	_ =	shalt  }
0x4b: {  	_ =	shalt  }
0x4c: {  	_ =	shalt  }
0x4d: {  	_ =	shalt  }
0x4e: {  	_ =	shalt  }
0x4f: {  	_ =	shalt  }
0x50: {  	_ =	shalt  }
0x51: {  	_ =	shalt  }
0x52: {  	_ =	shalt  }
0x53: {  	_ =	shalt  }
0x54: {  	_ =	shalt  }
0x55: {  	_ =	shalt  }
0x56: {  	_ =	shalt  }
0x57: {  	_ =	shalt  }
0x58: {  	_ =	shalt  }
0x59: {  	_ =	shalt  }
0x5a: {  	_ =	shalt  }
0x5b: {  	_ =	shalt  }
0x5c: {  	_ =	shalt  }
0x5d: {  	_ =	shalt  }
0x5e: {  	_ =	shalt  }
0x5f: {  	_ =	shalt  }
0x60: {  	_ =	shalt  }
0x61: {  	_ =	shalt  }
0x62: {  	_ =	shalt  }
0x63: {  	_ =	shalt  }
0x64: {  	_ =	shalt  }
0x65: {  	_ =	shalt  }
0x66: {  	_ =	shalt  }
0x67: {  	_ =	shalt  }
0x68: {  	_ =	shalt  }
0x69: {  	_ =	shalt  }
0x6a: {  	_ =	shalt  }
0x6b: {  	_ =	shalt  }
0x6c: {  	_ =	shalt  }
0x6d: {  	_ =	shalt  }
0x6e: {  	_ =	shalt  }
0x6f: {  	_ =	shalt  }
0x70: {  	_ =	shalt  }
0x71: {  	_ =	shalt  }
0x72: {  	_ =	shalt  }
0x73: {  	_ =	shalt  }
0x74: {  	_ =	shalt  }
0x75: {  	_ =	shalt  }
0x76: {  	_ =	shalt  }
0x77: {  	_ =	shalt  }
0x78: {  	_ =	shalt  }
0x79: {  	_ =	shalt  }
0x7a: {  	_ =	shalt  }
0x7b: {  	_ =	shalt  }
0x7c: {  	_ =	shalt  }
0x7d: {  	_ =	shalt  }
0x7e: {  	_ =	shalt  }
0x7f: {  	_ =	shalt  }
0x80: {  	_ =	shalt  }
0x81: {  	_ =	shalt  }
0x82: {  	_ =	shalt  }
0x83: {  	_ =	shalt  }
0x84: {  	_ =	shalt  }
0x85: {  	_ =	shalt  }
0x86: {  	_ =	shalt  }
0x87: {  	_ =	shalt  }
.Lfunc_end0:
.L_simem_size_0:
called_computation.1_lowered:
.L_overlay_start_0:
0x88: {  	s2 =	sld [smem:$0x3FD9]  }
0x89: {  	s3 =	sld [smem:$0x3FFE];
	_ =	sdelay $0x1  }
0x8a: {  	s1 =	srdreg.scid  }
0x8b: {  	s0 =	sand.u32 $0x1, s1  }
0x8c: {  	s17 =	sshll.u32 s0, $0xA;
	s2 =	sadd.s32 s3, s2  }
0x8d: {  	s2 =	sadd.s32 s2, s17  }
0x8e: {  	[smem:$0x3FC2] =	sst s2  }
0x8f: {  	_ = 	snop  }
0x90: {  	s2 =	sld [smem:$0x3FC9];
	(tm) =	ssettm $0x1  }
0x91: {  	s18 =	sld [smem:$0x3FFB];
	_ =	sdelay $0x3  }
0x92: {  	_ =	strace s18  }
0x93: {  	s3 =	sld [smem:$0x3FFC];
	_ =	sdelay $0x3  }
0x94: {  	_ =	strace s3  }
0x95: {  	s3 =	sld [smem:$0x3FFD];
	_ =	sdelay $0x3  }
0x96: {  	_ =	strace s3  }
0x97: {  	_ =	strace $0x8FFFFFFF  }
0x98: {  	s19 =	sld [smem:$0x3FDB];
	_ =	sdelay $0x1  }
0x99: {  	s4 =	simm.s32 $_scs_section_size  }
0x9a: {  	s5 =	simm.s32 $_size__tile_overlayer_lowered;
	s6 =	simm.s32 $_tile_overlayer_lowered  }
0x9b: {  	s22 =	simm.s32 $0x1BFF;
	s21 =	sshll.u32 s6, $0x1;
	s3 =	sadd.s32 s4, s19  }
0x9c: {  	s7 =	simm.s32 $0x0;
	s20 =	sshll.u32 s5, $0x1;
	s5 =	sadd.s32 s21, s3  }
0x9d: {  	[timem:s7], [sflag:s22] =	dma.local [hbm:s5], s20  }
0x9e: {  	_ =	swait.ge [sflag:s22], s20  }
0x9f: {  	s4 =	ssub.s32 $0x0, s20;
	[sflag:s22] =	ssyncset.done $0x0  }
0xa0: {  	[sflag:s22] =	ssyncadd.s32 s4;
	_ =	sdelay $0x1  }
0xa1: {  	s23 =	simm.s32 $0x1B8B  }
0xa2: {  	_ =	swait.ge [sflag:s23], $0x1  }
0xa3: {  	[sflag:s23] =	ssyncset.done $0x0  }
0xa4: {  	s25 =	simm.s32 $0x1B8E;
	s24 =	sld [smem:$0x3FFE];
	[sflag:s23] =	ssyncadd.s32 $0xFFFFFFFF  }
0xa5: {  	s26 =	simm.s32 $execute0_lowered;
	[smem:$0x3FD2] =	sst s25  }
0xa6: {  	s5 =	sshll.u32 s26, $0x1;
	_ =	strace $0x80000049;
	[dreg:$0x1] =	wrdreg $0xFFFFFFFF  }
0xa7: {  	s28 =	simm.s32 $_size_execute0_lowered;
	s3 =	sadd.s32 s3, s5;
	[dreg:$0x0] =	wrdreg $0x0  }
0xa8: {  	s5 =	sshll.u32 s28, $0x1;
	[dreg:$0x2] =	wrdreg s3  }
0xa9: {  	[dreg:$0x3] =	wrdreg s5  }
0xaa: {  	[dreg:$0x4] =	wrdreg $0xC0  }
0xab: {  	_ =	task [dreg:s7], $0x5FFFF  }
0xac: {  	[dreg:$0x1] =	wrdreg $0xFFFFFFFF  }
0xad: {  	[dreg:$0x0] =	wrdreg $0x60  }
0xae: {  	[dreg:$0x2] =	wrdreg s2  }
0xaf: {  	[dreg:$0x3] =	wrdreg s24  }
0xb0: {  	[dreg:$0x4] =	wrdreg $0x9  }
0xb1: {  	_ =	task.clear_ibuf [dreg:s7], $0x5FFFF;
	_ =	strace $0x90000049  }
0xb2: {  	s29 =	simm.s32 $0x9;
	_ =	strace $0x8000004B  }
0xb3: {  	_ =	swait.ge [sflag:s29], $0x1  }
0xb4: {  	[sflag:s29] =	ssyncadd.s32 $0xFFFFFFFF  }
0xb5: {  	_ =	strace $0x9000004B  }
0xb6: {  	_ =	sfence  }
0xb7: {  	s30 =	sld [smem:$0x0];
	_ =	sdelay $0x2  }
0xb8: {  	s31 =	sshll.u32 s1, $0xD;
	s1 =	sshrl.u32 s1, $0x2  }
0xb9: {  	s3 =	sand.u32 $0x4000, s31;
	s1 =	sadd.s32 s1, s30  }
0xba: {  	s0 =	sor.u32 s3, s0;
	s1 =	sshll.u32 s1, $0x11  }
0xbb: {  	s0 =	sor.u32 s1, s0  }
0xbc: {  	s0 =	sadd.s32 $0x8F2B, s0  }
0xbd: {  	[sflag:s0] =	ssyncadd.remote.s32 $0x1  }
0xbe: {  	_ =	sfence.sel $0xFFFF  }
0xbf: {  	[dreg:$0x0] =	wrdreg $0xFFFFFFFF;
	(pc) =	sbr.abs _section_cstart, $3  }
0xc0: {  	[dreg:$0x1] =	wrdreg $0xFFFFFFFF  }
0xc1: {  	_ =	task.clear_ibuf [dreg:s7], $0x2FFFF;
	_ =	strace $0x9FFFFFFF  }
0xc2: {  	(tm) =	ssettm $0x7FFFFFFF  }
0xc3: {  	_ =	shalt  }
tec
execute0_lowered:
.L_overlay_start_1:
0x0: {  	(tag) =	ssettag $0x1  }
0x1: {  	s1 =	srdreg.scid  }
0x2: {  	s3 =	rddreg [dreg:$0x0];
	s0 =	stileid.u32  }
0x3: {  	s5 =	rddreg [dreg:$0x1];
	s2 =	simm.s32 $0x0;
	s8 =	simm.s32 $0x80  }
0x4: {  	s26 =	simm.s32 $0x880;
	s9 =	simm.s32 $0x1080;
	s10 =	simm.s32 $0x1880  }
0x5: {  	s11 =	simm.s32 $0x2080;
	s12 =	simm.s32 $0x2880;
	s13 =	simm.s32 $0x3080  }
0x6: {  	s14 =	simm.s32 $0x3880;
	s15 =	simm.s32 $0x4080;
	s16 =	simm.s32 $0x4880  }
0x7: {  	s17 =	simm.s32 $0x5080;
	s18 =	simm.s32 $0x5880;
	s19 =	simm.s32 $0x6080  }
0x8: {  	s20 =	simm.s32 $0x6880;
	s21 =	simm.s32 $0x7080;
	s22 =	simm.s32 $0x7880  }
0x9: {  	s23 =	simm.s32 $0x8080;
	s24 =	simm.s32 $0x8880;
	s25 =	simm.s32 $0x9080  }
0xa: {  	s28 =	simm.s32 $0xA080;
	s29 =	simm.s32 $0xA880;
	s30 =	simm.s32 $0xB080  }
0xb: {  	s31 =	simm.s32 $0xB880;
	s1 =	sand.u32 $0x1, s1;
	[smem:$0x7FF] =	sst s2  }
0xc: {  	s4 =	sshll.u32 s0, $0x4;
	s6 =	sshll.u32 s1, $0x3;
	_ =	strace $0x8000004A  }
0xd: {  	s1 =	ssub.s32 $0x2, s1;
	[dreg:$0x5] =	wrdreg s26;
	s4 =	sor.u32 s6, s4  }
0xe: {  	s7 =	sshrl.u32 s1, $0x1;
	s6 =	sadd.s32 s4, s5;
	s4 =	smul.u32 $0x300, s4  }
0xf: {  	s26 =	simm.s32 $0x9880;
	s1 =	ssub.s32 s1, s7;
	s6 =	sadd.s32 $0x600, s6  }
0x10: {  	v2 =	vlaneseq.u32;
	s7 =	simm.s32 $0x2;
	[dreg:$0x3] =	wrdreg s6;
	s4 =	sadd.s32 s3, s4  }
0x11: {  	vm0 =	vmmov $0xffff;
	v1 =	vshrl.u32 v2, $0x3;
	s3 =	sadd.s32 $0x800, s5;
	s6 =	smax.u32 s1, $0x1;
	s1 =	simm.s32 $0x1  }
0x12: {  	v0 =	vand.u32 $0x7, v2;
	v2 =	vor.u32 $0x8, v2;
	v1 =	vmul.u32 $0x8, v1;
	[dreg:$0x4] =	wrdreg s4;
	s4 =	sadd.s32 $0x900, s5;
	s5 =	sadd.s32 $0xA00, s5  }
.LBB2_1:
0x13: {  	s0 =	rddreg [dreg:$0x3]  }
0x14: {  	[tilespmem:s2], [sflag:$0x2] =	stream.linear.gather [hbm4b:s0+s2], $0x40, $0x38;
	[tilespmem:$0xC080] =	vst v63  }
0x15: {  	_ =	swait.ge [sflag:s7], $0x40  }
0x16: {  	[sflag:s7] =	ssyncset.done $0x0  }
0x17: {  	s0 =	rddreg [dreg:$0x4];
	[sflag:s7] =	ssyncadd.s32 $0xFFFFFFC0  }
0x18: {  	[tilespmem:s8], [sflag:$0x2] =	stream.linear.gather [hbm4b:s0+s2], $0xC000, $0x38;
	[tilespmem:$0xC080] =	vst v63  }
0x19: {  	_ =	swait.ge [sflag:s7], $0xC000  }
0x1a: {  	[sflag:s7] =	ssyncset.done $0x0  }
0x1b: {  	[sflag:s7] =	ssyncadd.s32 $0xFFFF4000  }
0x1c: {  	v3 =	vld [tilespmem:$0x0];
	_ =	sdelay $0x4  }
0x1d: {  	v4 =	vshrl.u32 v3, $0x3  }
0x1e: {  	v4 =	vmul.u32 $0x30, v4  }
0x1f: {  	v3 =	vand.u32 $0x7, v3  }
0x20: {  	v3 =	vor.u32 v3, v4  }
0x21: {  	v4 =	vperm.xlane v3, v0;
	_ =	sdelay $0x1  }
0x22: {  	v4 =	vadd.s32 v1, v4;
	_ =	sdelay $0x3  }
0x23: {  	v3 =	vperm.xlane v3, v2  }
0x24: {  	[hbm4b:s3+s2] =	stream.indirect_vreg.scatter [tilespmem:s8], [sflag:$0x1], $0x80, v4, vm0, $0xb8;
	[tilespmem:$0xC080] =	vst v63  }
0x25: {  	s0 =	rddreg [dreg:$0x5];
	v3 =	vadd.s32 v1, v3  }
0x26: {  	[hbm4b:s4+s2] =	stream.indirect_vreg.scatter [tilespmem:s0], [sflag:$0x1], $0x80, v4, vm0, $0xb8;
	[tilespmem:$0xC080] =	vst v63  }
0x27: {  	_ = 	snop  }
0x28: {  	[hbm4b:s5+s2] =	stream.indirect_vreg.scatter [tilespmem:s9], [sflag:$0x1], $0x80, v4, vm0, $0xb8;
	[tilespmem:$0xC080] =	vst v63  }
0x29: {  	_ = 	snop  }
0x2a: {  	[hbm4b:s3+s2] =	stream.indirect_vreg.scatter [tilespmem:s10], [sflag:$0x1], $0x80, v3, vm0, $0xb8;
	[tilespmem:$0xC080] =	vst v63  }
0x2b: {  	_ = 	snop  }
0x2c: {  	[hbm4b:s4+s2] =	stream.indirect_vreg.scatter [tilespmem:s11], [sflag:$0x1], $0x80, v3, vm0, $0xb8;
	[tilespmem:$0xC080] =	vst v63  }
0x2d: {  	_ = 	snop  }
0x2e: {  	[hbm4b:s5+s2] =	stream.indirect_vreg.scatter [tilespmem:s12], [sflag:$0x1], $0x80, v3, vm0, $0xb8;
	[tilespmem:$0xC080] =	vst v63  }
0x2f: {  	v3 =	vld [tilespmem:$0x10];
	_ =	sdelay $0x4  }
0x30: {  	v61 =	vshrl.u32 v3, $0x3  }
0x31: {  	v4 =	vmul.u32 $0x30, v61  }
0x32: {  	v3 =	vand.u32 $0x7, v3  }
0x33: {  	v3 =	vor.u32 v3, v4  }
0x34: {  	v4 =	vperm.xlane v3, v0;
	_ =	sdelay $0x1  }
0x35: {  	v4 =	vadd.s32 v1, v4;
	_ =	sdelay $0x3  }
0x36: {  	v3 =	vperm.xlane v3, v2  }
0x37: {  	[hbm4b:s3+s2] =	stream.indirect_vreg.scatter [tilespmem:s13], [sflag:$0x1], $0x80, v4, vm0, $0xb8;
	[tilespmem:$0xC080] =	vst v63  }
0x38: {  	v3 =	vadd.s32 v1, v3  }
0x39: {  	[hbm4b:s4+s2] =	stream.indirect_vreg.scatter [tilespmem:s14], [sflag:$0x1], $0x80, v4, vm0, $0xb8;
	[tilespmem:$0xC080] =	vst v63  }
0x3a: {  	_ = 	snop  }
0x3b: {  	[hbm4b:s5+s2] =	stream.indirect_vreg.scatter [tilespmem:s15], [sflag:$0x1], $0x80, v4, vm0, $0xb8;
	[tilespmem:$0xC080] =	vst v63  }
0x3c: {  	_ = 	snop  }
0x3d: {  	[hbm4b:s3+s2] =	stream.indirect_vreg.scatter [tilespmem:s16], [sflag:$0x1], $0x80, v3, vm0, $0xb8;
	[tilespmem:$0xC080] =	vst v63  }
0x3e: {  	_ = 	snop  }
0x3f: {  	[hbm4b:s4+s2] =	stream.indirect_vreg.scatter [tilespmem:s17], [sflag:$0x1], $0x80, v3, vm0, $0xb8;
	[tilespmem:$0xC080] =	vst v63  }
0x40: {  	_ = 	snop  }
0x41: {  	[hbm4b:s5+s2] =	stream.indirect_vreg.scatter [tilespmem:s18], [sflag:$0x1], $0x80, v3, vm0, $0xb8;
	[tilespmem:$0xC080] =	vst v63  }
0x42: {  	v3 =	vld [tilespmem:$0x20];
	_ =	sdelay $0x4  }
0x43: {  	v62 =	vshrl.u32 v3, $0x3  }
0x44: {  	v4 =	vmul.u32 $0x30, v62  }
0x45: {  	v3 =	vand.u32 $0x7, v3  }
0x46: {  	v3 =	vor.u32 v3, v4  }
0x47: {  	v4 =	vperm.xlane v3, v0;
	_ =	sdelay $0x1  }
0x48: {  	v4 =	vadd.s32 v1, v4;
	_ =	sdelay $0x3  }
0x49: {  	v3 =	vperm.xlane v3, v2  }
0x4a: {  	[hbm4b:s3+s2] =	stream.indirect_vreg.scatter [tilespmem:s19], [sflag:$0x1], $0x80, v4, vm0, $0xb8;
	[tilespmem:$0xC080] =	vst v63  }
0x4b: {  	v3 =	vadd.s32 v1, v3  }
0x4c: {  	[hbm4b:s4+s2] =	stream.indirect_vreg.scatter [tilespmem:s20], [sflag:$0x1], $0x80, v4, vm0, $0xb8;
	[tilespmem:$0xC080] =	vst v63  }
0x4d: {  	_ = 	snop  }
0x4e: {  	[hbm4b:s5+s2] =	stream.indirect_vreg.scatter [tilespmem:s21], [sflag:$0x1], $0x80, v4, vm0, $0xb8;
	[tilespmem:$0xC080] =	vst v63  }
0x4f: {  	_ = 	snop  }
0x50: {  	[hbm4b:s3+s2] =	stream.indirect_vreg.scatter [tilespmem:s22], [sflag:$0x1], $0x80, v3, vm0, $0xb8;
	[tilespmem:$0xC080] =	vst v63  }
0x51: {  	_ = 	snop  }
0x52: {  	[hbm4b:s4+s2] =	stream.indirect_vreg.scatter [tilespmem:s23], [sflag:$0x1], $0x80, v3, vm0, $0xb8;
	[tilespmem:$0xC080] =	vst v63  }
0x53: {  	_ = 	snop  }
0x54: {  	[hbm4b:s5+s2] =	stream.indirect_vreg.scatter [tilespmem:s24], [sflag:$0x1], $0x80, v3, vm0, $0xb8;
	[tilespmem:$0xC080] =	vst v63  }
0x55: {  	v3 =	vld [tilespmem:$0x30];
	_ =	sdelay $0x4  }
0x56: {  	v63 =	vshrl.u32 v3, $0x3  }
0x57: {  	v4 =	vmul.u32 $0x30, v63  }
0x58: {  	v3 =	vand.u32 $0x7, v3  }
0x59: {  	v3 =	vor.u32 v3, v4  }
0x5a: {  	v4 =	vperm.xlane v3, v0;
	_ =	sdelay $0x1  }
0x5b: {  	v4 =	vadd.s32 v1, v4;
	_ =	sdelay $0x3  }
0x5c: {  	v3 =	vperm.xlane v3, v2  }
0x5d: {  	[hbm4b:s3+s2] =	stream.indirect_vreg.scatter [tilespmem:s25], [sflag:$0x1], $0x80, v4, vm0, $0xb8;
	[tilespmem:$0xC080] =	vst v63  }
0x5e: {  	v3 =	vadd.s32 v1, v3  }
0x5f: {  	[hbm4b:s4+s2] =	stream.indirect_vreg.scatter [tilespmem:s26], [sflag:$0x1], $0x80, v4, vm0, $0xb8;
	[tilespmem:$0xC080] =	vst v63  }
0x60: {  	_ = 	snop  }
0x61: {  	[hbm4b:s5+s2] =	stream.indirect_vreg.scatter [tilespmem:s28], [sflag:$0x1], $0x80, v4, vm0, $0xb8;
	[tilespmem:$0xC080] =	vst v63  }
0x62: {  	_ = 	snop  }
0x63: {  	[hbm4b:s3+s2] =	stream.indirect_vreg.scatter [tilespmem:s29], [sflag:$0x1], $0x80, v3, vm0, $0xb8;
	[tilespmem:$0xC080] =	vst v63  }
0x64: {  	p0 =	sne.s32 s6, $0x1  }
0x65: {  	[hbm4b:s4+s2] =	stream.indirect_vreg.scatter [tilespmem:s30], [sflag:$0x1], $0x80, v3, vm0, $0xb8;
	[tilespmem:$0xC080] =	vst v63  }
.Ltmp0:
0x66: {  	_ = 	snop;
	(pc) =	sbr.rel @p0 .LBB2_1-.Ltmp0, $4  }
0x67: {  	[hbm4b:s5+s2] =	stream.indirect_vreg.scatter [tilespmem:s31], [sflag:$0x1], $0x80, v3, vm0, $0xb8;
	[tilespmem:$0xC080] =	vst v63  }
0x68: {  	_ =	swait.ge [sflag:s1], $0xC000  }
0x69: {  	[sflag:s1] =	ssyncset.done $0x0  }
0x6a: {  	s6 =	sadd.s32 $0xFFFFFFFF, s6;
	[sflag:s1] =	ssyncadd.s32 $0xFFFF4000  }
0x6b: {  	_ =	sfence.sel $0x180000  }
0x6c: {  	[bflag:$0x0] =	sbarrier.arrive $0xFFFF  }
0x6d: {  	_ =	strace $0x9000004A  }
0x6e: {  	s0 =	stileid.u32;
	[bflag:$0x2] =	sbarrier.arrive $0xFFFF  }
0x6f: {  	p0 =	sne.s32 s0, $0x0;
	s0 =	rddreg [dreg:$0x2]  }
0x70: {  	s0 =	sadd.s32 @!p0 $0x100000, s0  }
0x71: {  	[sflag:s0] =	ssyncadd.tile.s32 @!p0 $0x1;
	_ =	shalt  }
.Lfunc_end2:
_tile_overlayer_lowered:
.L_overlay_start_2:
0x72: {  	(tag) =	ssettag $0x2  }
0x73: {  	s0 =	rddreg [dreg:$0x0];
	s2 =	stileid.u32  }
0x74: {  	s1 =	rddreg [dreg:$0x1];
	p0 =	sne.s32 s2, $0x0  }
0x75: {  	s3 =	rddreg [dreg:$0x2];
	[bflag:$0x3] =	sbarrier.arrive $0xFFFF;
	s2 =	simm.s32 @!p0 $0x1C02  }
0x76: {  	[timem:s3], [sflag:s2] =	dma.local @!p0 [hbm:s0], s1  }
0x77: {  	s0 =	simm.s32 @!p0 $0x2  }
0x78: {  	_ =	swait.ge @!p0 [sflag:s0], s1  }
0x79: {  	s1 =	ssub.s32 @!p0 $0x0, s1;
	[sflag:s0] =	ssyncset.done @!p0 $0x0  }
0x7a: {  	[sflag:s0] =	ssyncadd.s32 @!p0 s1  }
0x7b: {  	[bflag:$0x3] =	sbarrier.arrive $0xFFFF  }
0x7c: {  	_ =	shalt  }

</sc_bundles>
